<compile_context>
chip_gen: v7x
topology: tpu7x:2x2x1
jax: 0.10.2.dev20260603
libtpu: 0.0.44.dev20260713+nightly
codegen_flags: <defaults>
</compile_context>

<pallas_src>
import functools

import jax
import jax.numpy as jnp
from jax import lax
from jax.experimental import pallas as pl
from jax.experimental.pallas import tpu as pltpu
from jax.experimental.pallas import tpu_sc as plsc

N = 10000
ND = 128
E = 320000
NC = 2
NS = 16
CHUNK = 128
NCH = 158
EPAD = NS * NCH * CHUNK
N_PAD = 10112
RPT = N_PAD // NS
TRASH = 10050
DEGW = 16


HND = ND // 2


def _sc_scatter_body(with_deg, *refs):
    if with_deg:
        (hlo_hbm, hhi_hbm, gidx_hbm, sidx_hbm, zrow_hbm, zdeg_hbm, ones_hbm,
         uv_out, deg_out, gidx_v, sidx_v, rows_v, ones_v, acc_sh, deg_sh,
         sem) = refs
    else:
        (hlo_hbm, hhi_hbm, gidx_hbm, sidx_hbm, zrow_hbm,
         uv_out, gidx_v, sidx_v, rows_v, acc_sh, sem) = refs
    cid = lax.axis_index("c")
    sid = lax.axis_index("s")
    r0 = sid * RPT
    pltpu.sync_copy(gidx_hbm.at[cid, sid], gidx_v)
    pltpu.sync_copy(sidx_hbm.at[cid, sid], sidx_v)
    if with_deg:
        pltpu.sync_copy(ones_hbm, ones_v)

    for p, tab in enumerate((hlo_hbm, hhi_hbm)):
        pltpu.sync_copy(zrow_hbm.at[pl.ds(r0, RPT)], acc_sh.at[pl.ds(r0, RPT)])
        if with_deg and p == 0:
            pltpu.sync_copy(zdeg_hbm.at[pl.ds(r0, RPT)],
                            deg_sh.at[pl.ds(r0, RPT)])
        plsc.subcore_barrier()

        def chunk(j, carry):
            pltpu.async_copy(tab.at[gidx_v.at[j]], rows_v, sem).wait()
            pltpu.sync_copy(rows_v, acc_sh.at[sidx_v.at[j]], add=True)
            if with_deg and p == 0:
                pltpu.sync_copy(ones_v, deg_sh.at[sidx_v.at[j]], add=True)
            return carry

        lax.fori_loop(0, NCH, chunk, 0)
        plsc.subcore_barrier()
        pltpu.sync_copy(acc_sh.at[pl.ds(r0, RPT)],
                        uv_out.at[cid, p, pl.ds(r0, RPT)])
        if with_deg and p == 0:
            pltpu.sync_copy(deg_sh.at[pl.ds(r0, RPT)],
                            deg_out.at[cid, pl.ds(r0, RPT)])


def _make_sc_scatter(with_deg):
    mesh = plsc.VectorSubcoreMesh(core_axis_name="c", subcore_axis_name="s")
    out_type = [jax.ShapeDtypeStruct((NC, 2, N_PAD, HND), jnp.float32)]
    scratch = [
        pltpu.VMEM((NCH, CHUNK), jnp.int32),
        pltpu.VMEM((NCH, CHUNK), jnp.int32),
        pltpu.VMEM((CHUNK, HND), jnp.float32),
    ]
    if with_deg:
        out_type.append(jax.ShapeDtypeStruct((NC, N_PAD, DEGW), jnp.float32))
        scratch.append(pltpu.VMEM((CHUNK, DEGW), jnp.float32))
    scratch.append(pltpu.VMEM_SHARED((N_PAD, HND), jnp.float32))
    if with_deg:
        scratch.append(pltpu.VMEM_SHARED((N_PAD, DEGW), jnp.float32))
    scratch.append(pltpu.SemaphoreType.DMA)
    return pl.kernel(
        functools.partial(_sc_scatter_body, with_deg),
        out_type=out_type,
        mesh=mesh,
        scratch_types=scratch,
        compiler_params=pltpu.CompilerParams(use_tc_tiling_on_sc=False),
    )


_sc_scatter_deg = _make_sc_scatter(True)
_sc_scatter = _make_sc_scatter(False)


def _tc_layer_body(final, *refs):
    if final:
        (hf_ref, hr_ref, u_ref, v_ref, din_ref, dout_ref, a_ref, b_ref,
         mb_ref, mrb_ref, wih_ref, whh_ref, bih_ref, bhh_ref,
         wro_ref, fmb_ref, fmb2_ref, gmb_ref, gmb2_ref,
         out_ref, hg_ref, hg2_ref) = refs
    else:
        (hf_ref, hr_ref, u_ref, v_ref, din_ref, dout_ref, a_ref, b_ref,
         mb_ref, mrb_ref, wih_ref, whh_ref, bih_ref, bhh_ref, out_ref) = refs
    f32 = jnp.float32
    hi = lax.Precision.HIGHEST
    hfb = hf_ref[...]
    hrb = hr_ref[...]
    din = din_ref[...][:, :1]
    dout = dout_ref[...][:, :1]
    cat_f = jnp.concatenate([u_ref[...], din * hrb], axis=1)
    cat_r = jnp.concatenate([v_ref[...], dout * hrb], axis=1)
    aggr = (jnp.dot(cat_f, a_ref[...], preferred_element_type=f32, precision=hi)
            + jnp.dot(cat_r, b_ref[...], preferred_element_type=f32, precision=hi)
            + din * mb_ref[...] + dout * mrb_ref[...])
    gi = jnp.dot(aggr, wih_ref[...],
                 preferred_element_type=f32) + bih_ref[...]
    gh = jnp.dot(hfb, whh_ref[...],
                 preferred_element_type=f32) + bhh_ref[...]
    r = jax.nn.sigmoid(gi[:, :ND] + gh[:, :ND])
    z = jax.nn.sigmoid(gi[:, ND:2 * ND] + gh[:, ND:2 * ND])
    n = jnp.tanh(gi[:, 2 * ND:] + r * gh[:, 2 * ND:])
    hnew = (1.0 - z) * n + z * hfb
    out_ref[...] = hnew
    if final:
        t = jnp.dot(hnew, wro_ref[...], preferred_element_type=f32)
        t1 = t[:, :ND] + fmb_ref[...]
        t2 = t[:, ND:2 * ND] + fmb2_ref[...]
        g1 = jax.nn.sigmoid(t[:, 2 * ND:2 * ND + 1] + gmb_ref[...])
        g2 = jax.nn.sigmoid(t[:, 3 * ND:3 * ND + 1] + gmb2_ref[...])

        @pl.when(pl.program_id(0) == 0)
        def _():
            hg_ref[...] = jnp.zeros_like(hg_ref)
            hg2_ref[...] = jnp.zeros_like(hg2_ref)

        hg_ref[...] += jnp.sum(t1 * g1, axis=0, keepdims=True)
        hg2_ref[...] += jnp.sum(t2 * g2, axis=0, keepdims=True)


_TCR = 2000


def _make_tc_layer(final):
    full = lambda sh: pl.BlockSpec(sh, lambda i: (0, 0))
    row = lambda w: pl.BlockSpec((_TCR, w), lambda i: (i, 0))
    in_specs = [
        row(ND), row(ND), row(ND), row(ND), row(DEGW), row(DEGW),
        full((2 * ND, 2 * ND)), full((2 * ND, 2 * ND)),
        full((1, 2 * ND)), full((1, 2 * ND)),
        full((2 * ND, 3 * ND)), full((ND, 3 * ND)),
        full((1, 3 * ND)), full((1, 3 * ND)),
    ]
    out_specs = [row(ND)]
    out_shape = [jax.ShapeDtypeStruct((N, ND), jnp.float32)]
    if final:
        in_specs += [full((ND, 4 * ND)), full((1, ND)), full((1, ND)),
                     full((1, 1)), full((1, 1))]
        out_specs += [full((1, ND)), full((1, ND))]
        out_shape += [jax.ShapeDtypeStruct((1, ND), jnp.float32),
                      jax.ShapeDtypeStruct((1, ND), jnp.float32)]
    return pl.pallas_call(
        functools.partial(_tc_layer_body, final),
        grid=(N // _TCR,),
        in_specs=in_specs,
        out_specs=out_specs,
        out_shape=out_shape,
        compiler_params=pltpu.CompilerParams(
            dimension_semantics=("arbitrary",)),
    )


_tc_layer = _make_tc_layer(False)
_tc_layer_final = _make_tc_layer(True)


def _hw_round_bf16(x):
    def body(x_ref, o_ref):
        o_ref[...] = x_ref[...].astype(jnp.bfloat16).astype(jnp.float32)

    return pl.pallas_call(
        body, out_shape=jax.ShapeDtypeStruct(x.shape, jnp.float32))(x)


def kernel(h, edge_index, msg_W0, msg_b0, msgr_W0, msgr_b0, Wih0, Whh0, bih0,
           bhh0, msg_W1, msg_b1, msgr_W1, msgr_b1, Wih1, Whh1, bih1, bhh1,
           fm_W, fm_b, gm_W, gm_b, fm2_W, fm2_b, gm2_W, gm2_b):
    hf = h.reshape(N, ND)
    src = edge_index[0]
    dst = edge_index[1]
    pad = EPAD - E
    zi = jnp.zeros((pad,), jnp.int32)
    ti = jnp.full((pad,), TRASH, jnp.int32)
    src_g = jnp.concatenate([src, zi]).reshape(NS, NCH, CHUNK)
    dst_g = jnp.concatenate([dst, zi]).reshape(NS, NCH, CHUNK)
    dst_s = jnp.concatenate([dst, ti]).reshape(NS, NCH, CHUNK)
    src_s = jnp.concatenate([src, ti]).reshape(NS, NCH, CHUNK)
    gidx = jnp.stack([src_g, dst_g])
    sidx = jnp.stack([dst_s, src_s])
    zrow = jnp.zeros((N_PAD, HND), jnp.float32)
    zdeg = jnp.zeros((N_PAD, DEGW), jnp.float32)
    ones = jnp.ones((CHUNK, DEGW), jnp.float32)

    hr = _hw_round_bf16(hf)
    uv0, deg = _sc_scatter_deg(hr[:, :HND], hr[:, HND:], gidx, sidx,
                               zrow, zdeg, ones)
    din = deg[0, :N]
    dout = deg[1, :N]

    def halves(uv, c):
        return jnp.concatenate([uv[c, 0, :N], uv[c, 1, :N]], axis=1)

    def layer_weights(msg_W, msg_b, msgr_W, msgr_b, Wih, Whh, bih, bhh):
        return (_hw_round_bf16(msg_W.T), _hw_round_bf16(msgr_W.T),
                msg_b.reshape(1, -1), msgr_b.reshape(1, -1),
                Wih.T, Whh.T, bih.reshape(1, -1), bhh.reshape(1, -1))

    w0 = layer_weights(msg_W0, msg_b0, msgr_W0, msgr_b0, Wih0, Whh0, bih0, bhh0)
    (hf1,) = _tc_layer(hf, hr, halves(uv0, 0), halves(uv0, 1), din, dout, *w0)

    hr1 = _hw_round_bf16(hf1)
    (uv1,) = _sc_scatter(hr1[:, :HND], hr1[:, HND:], gidx, sidx, zrow)
    w1 = layer_weights(msg_W1, msg_b1, msgr_W1, msgr_b1, Wih1, Whh1, bih1, bhh1)
    w_ro = jnp.concatenate([
        fm_W.T, fm2_W.T,
        jnp.pad(gm_W.T, ((0, 0), (0, ND - 1))),
        jnp.pad(gm2_W.T, ((0, 0), (0, ND - 1))),
    ], axis=1)
    hf2, hG, hG2 = _tc_layer_final(
        hf1, hr1, halves(uv1, 0), halves(uv1, 1), din, dout, *w1,
        w_ro, fm_b.reshape(1, -1), fm2_b.reshape(1, -1),
        gm_b.reshape(1, 1), gm2_b.reshape(1, 1))
    return hf2.reshape(1, N, ND), hG, hG2

# --- scband reference (transcript-rebuilt; emitter-appended) ---
"""Pipeline reference for scband-graph-embed-25563645346123 (READ-ONLY COPY).

The authoritative reference and input builder live on the scoring server;
editing this copy changes nothing except your own understanding.
"""

import jax, jax.numpy as jnp
import numpy as np

NDIM = 128
GDIM = 128
NUM_LAYERS = 2
N_NODES = 10000
N_EDGES = 320000


def _gru_cell(x, hid, Wih, Whh, bih, bhh):
    gi = x @ Wih.T + bih
    gh = hid @ Whh.T + bhh
    ir, iz, i_n = jnp.split(gi, 3, axis=1)
    hr, hz, h_n = jnp.split(gh, 3, axis=1)
    r = jax.nn.sigmoid(ir + hr)
    z = jax.nn.sigmoid(iz + hz)
    n = jnp.tanh(i_n + r * h_n)
    return (1.0 - z) * n + z * hid


def setup_inputs(seed: int = 0) -> dict:
    key = jax.random.key(seed)
    ks = jax.random.split(key, 40)
    s = 0.05
    inp = {}
    inp["h"] = jax.random.normal(ks[0], (1, N_NODES, NDIM), dtype=jnp.float32)
    inp["edge_index"] = jax.random.randint(ks[1], (2, N_EDGES), 0, N_NODES, dtype=jnp.int32)
    ki = 2
    for l in range(NUM_LAYERS):
        inp[f"msg_W{l}"] = jax.random.normal(ks[ki], (2 * NDIM, 2 * NDIM), dtype=jnp.float32) * s; ki += 1
        inp[f"msg_b{l}"] = jnp.zeros((2 * NDIM,), dtype=jnp.float32)
        inp[f"msgr_W{l}"] = jax.random.normal(ks[ki], (2 * NDIM, 2 * NDIM), dtype=jnp.float32) * s; ki += 1
        inp[f"msgr_b{l}"] = jnp.zeros((2 * NDIM,), dtype=jnp.float32)
        inp[f"Wih{l}"] = jax.random.normal(ks[ki], (3 * NDIM, 2 * NDIM), dtype=jnp.float32) * s; ki += 1
        inp[f"Whh{l}"] = jax.random.normal(ks[ki], (3 * NDIM, NDIM), dtype=jnp.float32) * s; ki += 1
        inp[f"bih{l}"] = jnp.zeros((3 * NDIM,), dtype=jnp.float32)
        inp[f"bhh{l}"] = jnp.zeros((3 * NDIM,), dtype=jnp.float32)
    inp["fm_W"] = jax.random.normal(ks[ki], (GDIM, NDIM), dtype=jnp.float32) * s; ki += 1
    inp["fm_b"] = jnp.zeros((GDIM,), dtype=jnp.float32)
    inp["gm_W"] = jax.random.normal(ks[ki], (1, NDIM), dtype=jnp.float32) * s; ki += 1
    inp["gm_b"] = jnp.zeros((1,), dtype=jnp.float32)
    inp["fm2_W"] = jax.random.normal(ks[ki], (GDIM, NDIM), dtype=jnp.float32) * s; ki += 1
    inp["fm2_b"] = jnp.zeros((GDIM,), dtype=jnp.float32)
    inp["gm2_W"] = jax.random.normal(ks[ki], (1, NDIM), dtype=jnp.float32) * s; ki += 1
    inp["gm2_b"] = jnp.zeros((1,), dtype=jnp.float32)
    return inp


def reference(h, edge_index,
              msg_W0, msg_b0, msgr_W0, msgr_b0, Wih0, Whh0, bih0, bhh0,
              msg_W1, msg_b1, msgr_W1, msgr_b1, Wih1, Whh1, bih1, bhh1,
              fm_W, fm_b, gm_W, gm_b, fm2_W, fm2_b, gm2_W, gm2_b):
    p = {
        "msg_W0": msg_W0, "msg_b0": msg_b0, "msgr_W0": msgr_W0, "msgr_b0": msgr_b0,
        "Wih0": Wih0, "Whh0": Whh0, "bih0": bih0, "bhh0": bhh0,
        "msg_W1": msg_W1, "msg_b1": msg_b1, "msgr_W1": msgr_W1, "msgr_b1": msgr_b1,
        "Wih1": Wih1, "Whh1": Whh1, "bih1": bih1, "bhh1": bhh1,
        "fm_W": fm_W, "fm_b": fm_b, "gm_W": gm_W, "gm_b": gm_b,
        "fm2_W": fm2_W, "fm2_b": fm2_b, "gm2_W": gm2_W, "gm2_b": gm2_b,
    }
    B, idx, ndim = h.shape
    hf = h.reshape(-1, ndim)
    n_nodes = hf.shape[0]
    # NodeEmbUpd: append reversed edges (swap src/dst rows), concat along edge dim
    ei = jnp.concatenate([edge_index, edge_index[jnp.array([1, 0])]], axis=1)
    src = ei[0]
    dst = ei[1]
    E = edge_index.shape[1]
    for l in range(NUM_LAYERS):
        # message: gather endpoint features (dropout p=0 is identity)
        h_j = jnp.take(hf, src, axis=0)
        h_i = jnp.take(hf, dst, axis=0)
        m = jnp.concatenate([h_j, h_i], axis=1)  # [2E, 2*ndim]
        m1 = m[:E]
        m2 = m[E:]
        a = jnp.concatenate([
            m1 @ p[f"msg_W{l}"].T + p[f"msg_b{l}"],
            m2 @ p[f"msgr_W{l}"].T + p[f"msgr_b{l}"],
        ], axis=0)
        # aggregate 'add' at destination nodes
        aggr = jax.ops.segment_sum(a, dst, num_segments=n_nodes)
        # update: GRUCell(aggr, h)
        hf = _gru_cell(aggr, hf, p[f"Wih{l}"], p[f"Whh{l}"], p[f"bih{l}"], p[f"bhh{l}"])
    # GraphAggr gsum (GraphEmb)
    h_vG = hf @ p["fm_W"].T + p["fm_b"]
    g_vG = jax.nn.sigmoid(hf @ p["gm_W"].T + p["gm_b"])
    h_G = (h_vG * g_vG).reshape(B, idx, GDIM).sum(axis=1)
    # GraphAggr gsum (GraphEmb_init)
    h_vG2 = hf @ p["fm2_W"].T + p["fm2_b"]
    g_vG2 = jax.nn.sigmoid(hf @ p["gm2_W"].T + p["gm2_b"])
    h_G_init = (h_vG2 * g_vG2).reshape(B, idx, GDIM).sum(axis=1)
    return (hf.reshape(B, idx, ndim), h_G, h_G_init)

if __name__ == "__main__":
    import jax
    _d = setup_inputs()
    print(jax.jit(kernel)(*tuple(_d.values())))

</pallas_src>

<mosaic_0001>
#map = affine_map<(d0, d1) -> (0, 0)>
#map1 = affine_map<(d0, d1) -> (0, 0, 0, 0)>
#map2 = affine_map<(d0, d1) -> (0, 0, 0)>
module attributes {stable_mosaic.version = 14 : i64} {
  func.func @_sc_scatter_body(%arg0: i32, %arg1: i32, %arg2: memref<10000x64xf32, #tpu.memory_space<hbm>>, %arg3: memref<10000x64xf32, #tpu.memory_space<hbm>>, %arg4: memref<2x16x158x128xi32, #tpu.memory_space<hbm>>, %arg5: memref<2x16x158x128xi32, #tpu.memory_space<hbm>>, %arg6: memref<10112x64xf32, #tpu.memory_space<hbm>>, %arg7: memref<10112x16xf32, #tpu.memory_space<hbm>>, %arg8: memref<128x16xf32, #tpu.memory_space<hbm>>, %arg9: memref<2x2x10112x64xf32, #tpu.memory_space<hbm>>, %arg10: memref<2x10112x16xf32, #tpu.memory_space<hbm>>, %arg11: memref<158x128xi32, #tpu.memory_space<vmem>>, %arg12: memref<158x128xi32, #tpu.memory_space<vmem>>, %arg13: memref<128x64xf32, #tpu.memory_space<vmem>>, %arg14: memref<128x16xf32, #tpu.memory_space<vmem>>, %arg15: memref<10112x64xf32, #tpu.memory_space<vmem_shared>>, %arg16: memref<10112x16xf32, #tpu.memory_space<vmem_shared>>, %arg17: memref<!tpu.dma_semaphore, #tpu.memory_space<semaphore_mem>>) attributes {dimension_semantics = [#tpu.dimension_semantics<core_parallel>, #tpu.dimension_semantics<subcore_parallel>], iteration_bounds = array<i64: 2, 16>, scalar_prefetch = 0 : i64, scratch_operands = 7 : i64, tpu.core_type = #tpu.core_type<sc_vector_subcore>, window_params = [{transform_indices = #map}, {transform_indices = #map}, {transform_indices = #map1}, {transform_indices = #map1}, {transform_indices = #map}, {transform_indices = #map}, {transform_indices = #map}, {transform_indices = #map1}, {transform_indices = #map2}]} {
    %mul3A = arith.constant 632 : i32
    %mul3A_0 = arith.muli %arg1, %mul3A : i32
    "tpu.region"() ({
      %run_scoped3A_16 = tpu.sem_alloc : memref<!tpu.dma_semaphore, #tpu.memory_space<semaphore_mem>>
      %dma_start3A = arith.constant 0 : i32
      %dma_start3A_17 = arith.constant 0 : i32
      %dma_start3A_18 = tpu.memref_slice %arg4[%arg0, %arg1, %dma_start3A, %dma_start3A_17] : memref<2x16x158x128xi32, #tpu.memory_space<hbm>> -> memref<1x1x158x128xi32, #tpu.memory_space<hbm>>
      %dma_start3A_19 = tpu.memref_squeeze %dma_start3A_18 : memref<1x1x158x128xi32, #tpu.memory_space<hbm>> -> memref<158x128xi32, #tpu.memory_space<hbm>>
      %dma_start3A_20 = arith.constant 0 : i32
      %dma_start3A_21 = arith.constant 0 : i32
      %dma_start3A_22 = tpu.memref_slice %arg4[%arg0, %arg1, %dma_start3A_20, %dma_start3A_21] : memref<2x16x158x128xi32, #tpu.memory_space<hbm>> -> memref<1x1x158x128xi32, #tpu.memory_space<hbm>>
      %dma_start3A_23 = tpu.memref_squeeze %dma_start3A_22 : memref<1x1x158x128xi32, #tpu.memory_space<hbm>> -> memref<158x128xi32, #tpu.memory_space<hbm>>
      tpu.enqueue_dma source(%dma_start3A_23 : memref<158x128xi32, #tpu.memory_space<hbm>>) target(%arg11 : memref<158x128xi32, #tpu.memory_space<vmem>>) target_semaphore(%run_scoped3A_16 : memref<!tpu.dma_semaphore, #tpu.memory_space<semaphore_mem>>)
      %dma_wait3A = arith.constant 0 : i32
      %dma_wait3A_24 = arith.constant 0 : i32
      %dma_wait3A_25 = tpu.memref_slice %arg4[%arg0, %arg1, %dma_wait3A, %dma_wait3A_24] : memref<2x16x158x128xi32, #tpu.memory_space<hbm>> -> memref<1x1x158x128xi32, #tpu.memory_space<hbm>>
      %dma_wait3A_26 = tpu.memref_squeeze %dma_wait3A_25 : memref<1x1x158x128xi32, #tpu.memory_space<hbm>> -> memref<158x128xi32, #tpu.memory_space<hbm>>
      %dma_wait3A_27 = arith.constant 0 : i32
      %dma_wait3A_28 = arith.constant 0 : i32
      %dma_wait3A_29 = tpu.memref_slice %arg4[%arg0, %arg1, %dma_wait3A_27, %dma_wait3A_28] : memref<2x16x158x128xi32, #tpu.memory_space<hbm>> -> memref<1x1x158x128xi32, #tpu.memory_space<hbm>>
      %dma_wait3A_30 = tpu.memref_squeeze %dma_wait3A_29 : memref<1x1x158x128xi32, #tpu.memory_space<hbm>> -> memref<158x128xi32, #tpu.memory_space<hbm>>
      tpu.wait_dma2 semaphore(%run_scoped3A_16 : memref<!tpu.dma_semaphore, #tpu.memory_space<semaphore_mem>>) src(%dma_wait3A_30 : memref<158x128xi32, #tpu.memory_space<hbm>>) dst(%arg11 : memref<158x128xi32, #tpu.memory_space<vmem>>)
      tpu.yield
    }) : () -> ()
    "tpu.region"() ({
      %run_scoped3A_16 = tpu.sem_alloc : memref<!tpu.dma_semaphore, #tpu.memory_space<semaphore_mem>>
      %dma_start3A = arith.constant 0 : i32
      %dma_start3A_17 = arith.constant 0 : i32
      %dma_start3A_18 = tpu.memref_slice %arg5[%arg0, %arg1, %dma_start3A, %dma_start3A_17] : memref<2x16x158x128xi32, #tpu.memory_space<hbm>> -> memref<1x1x158x128xi32, #tpu.memory_space<hbm>>
      %dma_start3A_19 = tpu.memref_squeeze %dma_start3A_18 : memref<1x1x158x128xi32, #tpu.memory_space<hbm>> -> memref<158x128xi32, #tpu.memory_space<hbm>>
      %dma_start3A_20 = arith.constant 0 : i32
      %dma_start3A_21 = arith.constant 0 : i32
      %dma_start3A_22 = tpu.memref_slice %arg5[%arg0, %arg1, %dma_start3A_20, %dma_start3A_21] : memref<2x16x158x128xi32, #tpu.memory_space<hbm>> -> memref<1x1x158x128xi32, #tpu.memory_space<hbm>>
      %dma_start3A_23 = tpu.memref_squeeze %dma_start3A_22 : memref<1x1x158x128xi32, #tpu.memory_space<hbm>> -> memref<158x128xi32, #tpu.memory_space<hbm>>
      tpu.enqueue_dma source(%dma_start3A_23 : memref<158x128xi32, #tpu.memory_space<hbm>>) target(%arg12 : memref<158x128xi32, #tpu.memory_space<vmem>>) target_semaphore(%run_scoped3A_16 : memref<!tpu.dma_semaphore, #tpu.memory_space<semaphore_mem>>)
      %dma_wait3A = arith.constant 0 : i32
      %dma_wait3A_24 = arith.constant 0 : i32
      %dma_wait3A_25 = tpu.memref_slice %arg5[%arg0, %arg1, %dma_wait3A, %dma_wait3A_24] : memref<2x16x158x128xi32, #tpu.memory_space<hbm>> -> memref<1x1x158x128xi32, #tpu.memory_space<hbm>>
      %dma_wait3A_26 = tpu.memref_squeeze %dma_wait3A_25 : memref<1x1x158x128xi32, #tpu.memory_space<hbm>> -> memref<158x128xi32, #tpu.memory_space<hbm>>
      %dma_wait3A_27 = arith.constant 0 : i32
      %dma_wait3A_28 = arith.constant 0 : i32
      %dma_wait3A_29 = tpu.memref_slice %arg5[%arg0, %arg1, %dma_wait3A_27, %dma_wait3A_28] : memref<2x16x158x128xi32, #tpu.memory_space<hbm>> -> memref<1x1x158x128xi32, #tpu.memory_space<hbm>>
      %dma_wait3A_30 = tpu.memref_squeeze %dma_wait3A_29 : memref<1x1x158x128xi32, #tpu.memory_space<hbm>> -> memref<158x128xi32, #tpu.memory_space<hbm>>
      tpu.wait_dma2 semaphore(%run_scoped3A_16 : memref<!tpu.dma_semaphore, #tpu.memory_space<semaphore_mem>>) src(%dma_wait3A_30 : memref<158x128xi32, #tpu.memory_space<hbm>>) dst(%arg12 : memref<158x128xi32, #tpu.memory_space<vmem>>)
      tpu.yield
    }) : () -> ()
    "tpu.region"() ({
      %run_scoped3A_16 = tpu.sem_alloc : memref<!tpu.dma_semaphore, #tpu.memory_space<semaphore_mem>>
      tpu.enqueue_dma source(%arg8 : memref<128x16xf32, #tpu.memory_space<hbm>>) target(%arg14 : memref<128x16xf32, #tpu.memory_space<vmem>>) target_semaphore(%run_scoped3A_16 : memref<!tpu.dma_semaphore, #tpu.memory_space<semaphore_mem>>)
      tpu.wait_dma2 semaphore(%run_scoped3A_16 : memref<!tpu.dma_semaphore, #tpu.memory_space<semaphore_mem>>) src(%arg8 : memref<128x16xf32, #tpu.memory_space<hbm>>) dst(%arg14 : memref<128x16xf32, #tpu.memory_space<vmem>>)
      tpu.yield
    }) : () -> ()
    "tpu.region"() ({
      %run_scoped3A_16 = tpu.sem_alloc : memref<!tpu.dma_semaphore, #tpu.memory_space<semaphore_mem>>
      %dma_start3A = arith.constant 0 : i32
      %dma_start3A_17 = tpu.memref_slice %arg15[%mul3A_0, %dma_start3A] : memref<10112x64xf32, #tpu.memory_space<vmem_shared>> -> memref<632x64xf32, #tpu.memory_space<vmem_shared>>
      %dma_start3A_18 = arith.constant 0 : i32
      %dma_start3A_19 = tpu.memref_slice %arg6[%mul3A_0, %dma_start3A_18] : memref<10112x64xf32, #tpu.memory_space<hbm>> -> memref<632x64xf32, #tpu.memory_space<hbm>>
      tpu.enqueue_dma source(%dma_start3A_19 : memref<632x64xf32, #tpu.memory_space<hbm>>) target(%dma_start3A_17 : memref<632x64xf32, #tpu.memory_space<vmem_shared>>) target_semaphore(%run_scoped3A_16 : memref<!tpu.dma_semaphore, #tpu.memory_space<semaphore_mem>>)
      %dma_wait3A = arith.constant 0 : i32
      %dma_wait3A_20 = tpu.memref_slice %arg15[%mul3A_0, %dma_wait3A] : memref<10112x64xf32, #tpu.memory_space<vmem_shared>> -> memref<632x64xf32, #tpu.memory_space<vmem_shared>>
      %dma_wait3A_21 = arith.constant 0 : i32
      %dma_wait3A_22 = tpu.memref_slice %arg6[%mul3A_0, %dma_wait3A_21] : memref<10112x64xf32, #tpu.memory_space<hbm>> -> memref<632x64xf32, #tpu.memory_space<hbm>>
      tpu.wait_dma2 semaphore(%run_scoped3A_16 : memref<!tpu.dma_semaphore, #tpu.memory_space<semaphore_mem>>) src(%dma_wait3A_22 : memref<632x64xf32, #tpu.memory_space<hbm>>) dst(%dma_wait3A_20 : memref<632x64xf32, #tpu.memory_space<vmem_shared>>)
      tpu.yield
    }) : () -> ()
    "tpu.region"() ({
      %run_scoped3A_16 = tpu.sem_alloc : memref<!tpu.dma_semaphore, #tpu.memory_space<semaphore_mem>>
      %dma_start3A = arith.constant 0 : i32
      %dma_start3A_17 = tpu.memref_slice %arg16[%mul3A_0, %dma_start3A] : memref<10112x16xf32, #tpu.memory_space<vmem_shared>> -> memref<632x16xf32, #tpu.memory_space<vmem_shared>>
      %dma_start3A_18 = arith.constant 0 : i32
      %dma_start3A_19 = tpu.memref_slice %arg7[%mul3A_0, %dma_start3A_18] : memref<10112x16xf32, #tpu.memory_space<hbm>> -> memref<632x16xf32, #tpu.memory_space<hbm>>
      tpu.enqueue_dma source(%dma_start3A_19 : memref<632x16xf32, #tpu.memory_space<hbm>>) target(%dma_start3A_17 : memref<632x16xf32, #tpu.memory_space<vmem_shared>>) target_semaphore(%run_scoped3A_16 : memref<!tpu.dma_semaphore, #tpu.memory_space<semaphore_mem>>)
      %dma_wait3A = arith.constant 0 : i32
      %dma_wait3A_20 = tpu.memref_slice %arg16[%mul3A_0, %dma_wait3A] : memref<10112x16xf32, #tpu.memory_space<vmem_shared>> -> memref<632x16xf32, #tpu.memory_space<vmem_shared>>
      %dma_wait3A_21 = arith.constant 0 : i32
      %dma_wait3A_22 = tpu.memref_slice %arg7[%mul3A_0, %dma_wait3A_21] : memref<10112x16xf32, #tpu.memory_space<hbm>> -> memref<632x16xf32, #tpu.memory_space<hbm>>
      tpu.wait_dma2 semaphore(%run_scoped3A_16 : memref<!tpu.dma_semaphore, #tpu.memory_space<semaphore_mem>>) src(%dma_wait3A_22 : memref<632x16xf32, #tpu.memory_space<hbm>>) dst(%dma_wait3A_20 : memref<632x16xf32, #tpu.memory_space<vmem_shared>>)
      tpu.yield
    }) : () -> ()
    %barrier3A = arith.constant 0 : index
    tpu.barrier barrier_id(%barrier3A)
    %scan3A = arith.constant 0 : i32
    %scan3A_1 = arith.constant 0 : i32
    %scan3A_2 = arith.constant 158 : i32
    %scan3A_3 = arith.addi %scan3A_1, %scan3A_2 : i32
    %scan3A_4 = arith.constant 1 : i32
    scf.for %scan3A_16 = %scan3A_1 to %scan3A_3 step %scan3A_4  : i32 {
      %dma_start3A = arith.constant 0 : i32
      %dma_start3A_17 = tpu.memref_slice %arg11[%scan3A_16, %dma_start3A] : memref<158x128xi32, #tpu.memory_space<vmem>> -> memref<1x128xi32, #tpu.memory_space<vmem>>
      %dma_start3A_18 = tpu.memref_squeeze %dma_start3A_17 : memref<1x128xi32, #tpu.memory_space<vmem>> -> memref<128xi32, #tpu.memory_space<vmem>>
      %dma_start3A_19 = arith.constant 0 : i32
      %dma_start3A_20 = arith.constant 0 : i32
      %dma_start3A_21 = tpu.memref_slice %arg2[%dma_start3A_19, %dma_start3A_20] : memref<10000x64xf32, #tpu.memory_space<hbm>> -> memref<10000x64xf32, #tpu.memory_space<hbm>>
      tpu.enqueue_indirect_dma source(%dma_start3A_21 : memref<10000x64xf32, #tpu.memory_space<hbm>>) target(%arg13 : memref<128x64xf32, #tpu.memory_space<vmem>>) offsets(%dma_start3A_18 : memref<128xi32, #tpu.memory_space<vmem>>) semaphore(%arg17 : memref<!tpu.dma_semaphore, #tpu.memory_space<semaphore_mem>>)
      %dma_wait3A = arith.constant 0 : i32
      %dma_wait3A_22 = tpu.memref_slice %arg11[%scan3A_16, %dma_wait3A] : memref<158x128xi32, #tpu.memory_space<vmem>> -> memref<1x128xi32, #tpu.memory_space<vmem>>
      %dma_wait3A_23 = tpu.memref_squeeze %dma_wait3A_22 : memref<1x128xi32, #tpu.memory_space<vmem>> -> memref<128xi32, #tpu.memory_space<vmem>>
      %dma_wait3A_24 = arith.constant 0 : i32
      %dma_wait3A_25 = arith.constant 0 : i32
      %dma_wait3A_26 = tpu.memref_slice %arg2[%dma_wait3A_24, %dma_wait3A_25] : memref<10000x64xf32, #tpu.memory_space<hbm>> -> memref<10000x64xf32, #tpu.memory_space<hbm>>
      tpu.wait_indirect_dma semaphore(%arg17 : memref<!tpu.dma_semaphore, #tpu.memory_space<semaphore_mem>>) src(%dma_wait3A_26 : memref<10000x64xf32, #tpu.memory_space<hbm>>) dst(%arg13 : memref<128x64xf32, #tpu.memory_space<vmem>>)
      "tpu.region"() ({
        %run_scoped3A_27 = tpu.sem_alloc : memref<!tpu.dma_semaphore, #tpu.memory_space<semaphore_mem>>
        %dma_start3A_28 = arith.constant 0 : i32
        %dma_start3A_29 = tpu.memref_slice %arg12[%scan3A_16, %dma_start3A_28] : memref<158x128xi32, #tpu.memory_space<vmem>> -> memref<1x128xi32, #tpu.memory_space<vmem>>
        %dma_start3A_30 = tpu.memref_squeeze %dma_start3A_29 : memref<1x128xi32, #tpu.memory_space<vmem>> -> memref<128xi32, #tpu.memory_space<vmem>>
        %dma_start3A_31 = arith.constant 0 : i32
        %dma_start3A_32 = arith.constant 0 : i32
        %dma_start3A_33 = tpu.memref_slice %arg15[%dma_start3A_31, %dma_start3A_32] : memref<10112x64xf32, #tpu.memory_space<vmem_shared>> -> memref<10112x64xf32, #tpu.memory_space<vmem_shared>>
        tpu.enqueue_indirect_dma source(%arg13 : memref<128x64xf32, #tpu.memory_space<vmem>>) target(%dma_start3A_33 : memref<10112x64xf32, #tpu.memory_space<vmem_shared>>) offsets(%dma_start3A_30 : memref<128xi32, #tpu.memory_space<vmem>>) semaphore(%run_scoped3A_27 : memref<!tpu.dma_semaphore, #tpu.memory_space<semaphore_mem>>) {add = true}
        %dma_wait3A_34 = arith.constant 0 : i32
        %dma_wait3A_35 = tpu.memref_slice %arg12[%scan3A_16, %dma_wait3A_34] : memref<158x128xi32, #tpu.memory_space<vmem>> -> memref<1x128xi32, #tpu.memory_space<vmem>>
        %dma_wait3A_36 = tpu.memref_squeeze %dma_wait3A_35 : memref<1x128xi32, #tpu.memory_space<vmem>> -> memref<128xi32, #tpu.memory_space<vmem>>
        %dma_wait3A_37 = arith.constant 0 : i32
        %dma_wait3A_38 = arith.constant 0 : i32
        %dma_wait3A_39 = tpu.memref_slice %arg15[%dma_wait3A_37, %dma_wait3A_38] : memref<10112x64xf32, #tpu.memory_space<vmem_shared>> -> memref<10112x64xf32, #tpu.memory_space<vmem_shared>>
        tpu.wait_indirect_dma semaphore(%run_scoped3A_27 : memref<!tpu.dma_semaphore, #tpu.memory_space<semaphore_mem>>) src(%arg13 : memref<128x64xf32, #tpu.memory_space<vmem>>) dst(%dma_wait3A_39 : memref<10112x64xf32, #tpu.memory_space<vmem_shared>>)
        tpu.yield
      }) : () -> ()
      "tpu.region"() ({
        %run_scoped3A_27 = tpu.sem_alloc : memref<!tpu.dma_semaphore, #tpu.memory_space<semaphore_mem>>
        %dma_start3A_28 = arith.constant 0 : i32
        %dma_start3A_29 = tpu.memref_slice %arg12[%scan3A_16, %dma_start3A_28] : memref<158x128xi32, #tpu.memory_space<vmem>> -> memref<1x128xi32, #tpu.memory_space<vmem>>
        %dma_start3A_30 = tpu.memref_squeeze %dma_start3A_29 : memref<1x128xi32, #tpu.memory_space<vmem>> -> memref<128xi32, #tpu.memory_space<vmem>>
        %dma_start3A_31 = arith.constant 0 : i32
        %dma_start3A_32 = arith.constant 0 : i32
        %dma_start3A_33 = tpu.memref_slice %arg16[%dma_start3A_31, %dma_start3A_32] : memref<10112x16xf32, #tpu.memory_space<vmem_shared>> -> memref<10112x16xf32, #tpu.memory_space<vmem_shared>>
        tpu.enqueue_indirect_dma source(%arg14 : memref<128x16xf32, #tpu.memory_space<vmem>>) target(%dma_start3A_33 : memref<10112x16xf32, #tpu.memory_space<vmem_shared>>) offsets(%dma_start3A_30 : memref<128xi32, #tpu.memory_space<vmem>>) semaphore(%run_scoped3A_27 : memref<!tpu.dma_semaphore, #tpu.memory_space<semaphore_mem>>) {add = true}
        %dma_wait3A_34 = arith.constant 0 : i32
        %dma_wait3A_35 = tpu.memref_slice %arg12[%scan3A_16, %dma_wait3A_34] : memref<158x128xi32, #tpu.memory_space<vmem>> -> memref<1x128xi32, #tpu.memory_space<vmem>>
        %dma_wait3A_36 = tpu.memref_squeeze %dma_wait3A_35 : memref<1x128xi32, #tpu.memory_space<vmem>> -> memref<128xi32, #tpu.memory_space<vmem>>
        %dma_wait3A_37 = arith.constant 0 : i32
        %dma_wait3A_38 = arith.constant 0 : i32
        %dma_wait3A_39 = tpu.memref_slice %arg16[%dma_wait3A_37, %dma_wait3A_38] : memref<10112x16xf32, #tpu.memory_space<vmem_shared>> -> memref<10112x16xf32, #tpu.memory_space<vmem_shared>>
        tpu.wait_indirect_dma semaphore(%run_scoped3A_27 : memref<!tpu.dma_semaphore, #tpu.memory_space<semaphore_mem>>) src(%arg14 : memref<128x16xf32, #tpu.memory_space<vmem>>) dst(%dma_wait3A_39 : memref<10112x16xf32, #tpu.memory_space<vmem_shared>>)
        tpu.yield
      }) : () -> ()
    }
    %scan3A_5 = arith.constant 158 : i32
    %barrier3A_6 = arith.constant 0 : index
    tpu.barrier barrier_id(%barrier3A_6)
    %run_scoped3A = arith.constant 0 : i32
    "tpu.region"() ({
      %run_scoped3A_16 = tpu.sem_alloc : memref<!tpu.dma_semaphore, #tpu.memory_space<semaphore_mem>>
      %dma_start3A = arith.constant 0 : i32
      %dma_start3A_17 = tpu.memref_slice %arg9[%arg0, %run_scoped3A, %mul3A_0, %dma_start3A] : memref<2x2x10112x64xf32, #tpu.memory_space<hbm>> -> memref<1x1x632x64xf32, #tpu.memory_space<hbm>>
      %dma_start3A_18 = tpu.memref_squeeze %dma_start3A_17 : memref<1x1x632x64xf32, #tpu.memory_space<hbm>> -> memref<632x64xf32, #tpu.memory_space<hbm>>
      %dma_start3A_19 = arith.constant 0 : i32
      %dma_start3A_20 = tpu.memref_slice %arg15[%mul3A_0, %dma_start3A_19] : memref<10112x64xf32, #tpu.memory_space<vmem_shared>> -> memref<632x64xf32, #tpu.memory_space<vmem_shared>>
      tpu.enqueue_dma source(%dma_start3A_20 : memref<632x64xf32, #tpu.memory_space<vmem_shared>>) target(%dma_start3A_18 : memref<632x64xf32, #tpu.memory_space<hbm>>) target_semaphore(%run_scoped3A_16 : memref<!tpu.dma_semaphore, #tpu.memory_space<semaphore_mem>>)
      %dma_wait3A = arith.constant 0 : i32
      %dma_wait3A_21 = tpu.memref_slice %arg9[%arg0, %run_scoped3A, %mul3A_0, %dma_wait3A] : memref<2x2x10112x64xf32, #tpu.memory_space<hbm>> -> memref<1x1x632x64xf32, #tpu.memory_space<hbm>>
      %dma_wait3A_22 = tpu.memref_squeeze %dma_wait3A_21 : memref<1x1x632x64xf32, #tpu.memory_space<hbm>> -> memref<632x64xf32, #tpu.memory_space<hbm>>
      %dma_wait3A_23 = arith.constant 0 : i32
      %dma_wait3A_24 = tpu.memref_slice %arg15[%mul3A_0, %dma_wait3A_23] : memref<10112x64xf32, #tpu.memory_space<vmem_shared>> -> memref<632x64xf32, #tpu.memory_space<vmem_shared>>
      tpu.wait_dma2 semaphore(%run_scoped3A_16 : memref<!tpu.dma_semaphore, #tpu.memory_space<semaphore_mem>>) src(%dma_wait3A_24 : memref<632x64xf32, #tpu.memory_space<vmem_shared>>) dst(%dma_wait3A_22 : memref<632x64xf32, #tpu.memory_space<hbm>>)
      tpu.yield
    }) : () -> ()
    "tpu.region"() ({
      %run_scoped3A_16 = tpu.sem_alloc : memref<!tpu.dma_semaphore, #tpu.memory_space<semaphore_mem>>
      %dma_start3A = arith.constant 0 : i32
      %dma_start3A_17 = tpu.memref_slice %arg10[%arg0, %mul3A_0, %dma_start3A] : memref<2x10112x16xf32, #tpu.memory_space<hbm>> -> memref<1x632x16xf32, #tpu.memory_space<hbm>>
      %dma_start3A_18 = tpu.memref_squeeze %dma_start3A_17 : memref<1x632x16xf32, #tpu.memory_space<hbm>> -> memref<632x16xf32, #tpu.memory_space<hbm>>
      %dma_start3A_19 = arith.constant 0 : i32
      %dma_start3A_20 = tpu.memref_slice %arg16[%mul3A_0, %dma_start3A_19] : memref<10112x16xf32, #tpu.memory_space<vmem_shared>> -> memref<632x16xf32, #tpu.memory_space<vmem_shared>>
      tpu.enqueue_dma source(%dma_start3A_20 : memref<632x16xf32, #tpu.memory_space<vmem_shared>>) target(%dma_start3A_18 : memref<632x16xf32, #tpu.memory_space<hbm>>) target_semaphore(%run_scoped3A_16 : memref<!tpu.dma_semaphore, #tpu.memory_space<semaphore_mem>>)
      %dma_wait3A = arith.constant 0 : i32
      %dma_wait3A_21 = tpu.memref_slice %arg10[%arg0, %mul3A_0, %dma_wait3A] : memref<2x10112x16xf32, #tpu.memory_space<hbm>> -> memref<1x632x16xf32, #tpu.memory_space<hbm>>
      %dma_wait3A_22 = tpu.memref_squeeze %dma_wait3A_21 : memref<1x632x16xf32, #tpu.memory_space<hbm>> -> memref<632x16xf32, #tpu.memory_space<hbm>>
      %dma_wait3A_23 = arith.constant 0 : i32
      %dma_wait3A_24 = tpu.memref_slice %arg16[%mul3A_0, %dma_wait3A_23] : memref<10112x16xf32, #tpu.memory_space<vmem_shared>> -> memref<632x16xf32, #tpu.memory_space<vmem_shared>>
      tpu.wait_dma2 semaphore(%run_scoped3A_16 : memref<!tpu.dma_semaphore, #tpu.memory_space<semaphore_mem>>) src(%dma_wait3A_24 : memref<632x16xf32, #tpu.memory_space<vmem_shared>>) dst(%dma_wait3A_22 : memref<632x16xf32, #tpu.memory_space<hbm>>)
      tpu.yield
    }) : () -> ()
    "tpu.region"() ({
      %run_scoped3A_16 = tpu.sem_alloc : memref<!tpu.dma_semaphore, #tpu.memory_space<semaphore_mem>>
      %dma_start3A = arith.constant 0 : i32
      %dma_start3A_17 = tpu.memref_slice %arg15[%mul3A_0, %dma_start3A] : memref<10112x64xf32, #tpu.memory_space<vmem_shared>> -> memref<632x64xf32, #tpu.memory_space<vmem_shared>>
      %dma_start3A_18 = arith.constant 0 : i32
      %dma_start3A_19 = tpu.memref_slice %arg6[%mul3A_0, %dma_start3A_18] : memref<10112x64xf32, #tpu.memory_space<hbm>> -> memref<632x64xf32, #tpu.memory_space<hbm>>
      tpu.enqueue_dma source(%dma_start3A_19 : memref<632x64xf32, #tpu.memory_space<hbm>>) target(%dma_start3A_17 : memref<632x64xf32, #tpu.memory_space<vmem_shared>>) target_semaphore(%run_scoped3A_16 : memref<!tpu.dma_semaphore, #tpu.memory_space<semaphore_mem>>)
      %dma_wait3A = arith.constant 0 : i32
      %dma_wait3A_20 = tpu.memref_slice %arg15[%mul3A_0, %dma_wait3A] : memref<10112x64xf32, #tpu.memory_space<vmem_shared>> -> memref<632x64xf32, #tpu.memory_space<vmem_shared>>
      %dma_wait3A_21 = arith.constant 0 : i32
      %dma_wait3A_22 = tpu.memref_slice %arg6[%mul3A_0, %dma_wait3A_21] : memref<10112x64xf32, #tpu.memory_space<hbm>> -> memref<632x64xf32, #tpu.memory_space<hbm>>
      tpu.wait_dma2 semaphore(%run_scoped3A_16 : memref<!tpu.dma_semaphore, #tpu.memory_space<semaphore_mem>>) src(%dma_wait3A_22 : memref<632x64xf32, #tpu.memory_space<hbm>>) dst(%dma_wait3A_20 : memref<632x64xf32, #tpu.memory_space<vmem_shared>>)
      tpu.yield
    }) : () -> ()
    %barrier3A_7 = arith.constant 0 : index
    tpu.barrier barrier_id(%barrier3A_7)
    %scan3A_8 = arith.constant 0 : i32
    %scan3A_9 = arith.constant 0 : i32
    %scan3A_10 = arith.constant 158 : i32
    %scan3A_11 = arith.addi %scan3A_9, %scan3A_10 : i32
    %scan3A_12 = arith.constant 1 : i32
    scf.for %scan3A_16 = %scan3A_9 to %scan3A_11 step %scan3A_12  : i32 {
      %dma_start3A = arith.constant 0 : i32
      %dma_start3A_17 = tpu.memref_slice %arg11[%scan3A_16, %dma_start3A] : memref<158x128xi32, #tpu.memory_space<vmem>> -> memref<1x128xi32, #tpu.memory_space<vmem>>
      %dma_start3A_18 = tpu.memref_squeeze %dma_start3A_17 : memref<1x128xi32, #tpu.memory_space<vmem>> -> memref<128xi32, #tpu.memory_space<vmem>>
      %dma_start3A_19 = arith.constant 0 : i32
      %dma_start3A_20 = arith.constant 0 : i32
      %dma_start3A_21 = tpu.memref_slice %arg3[%dma_start3A_19, %dma_start3A_20] : memref<10000x64xf32, #tpu.memory_space<hbm>> -> memref<10000x64xf32, #tpu.memory_space<hbm>>
      tpu.enqueue_indirect_dma source(%dma_start3A_21 : memref<10000x64xf32, #tpu.memory_space<hbm>>) target(%arg13 : memref<128x64xf32, #tpu.memory_space<vmem>>) offsets(%dma_start3A_18 : memref<128xi32, #tpu.memory_space<vmem>>) semaphore(%arg17 : memref<!tpu.dma_semaphore, #tpu.memory_space<semaphore_mem>>)
      %dma_wait3A = arith.constant 0 : i32
      %dma_wait3A_22 = tpu.memref_slice %arg11[%scan3A_16, %dma_wait3A] : memref<158x128xi32, #tpu.memory_space<vmem>> -> memref<1x128xi32, #tpu.memory_space<vmem>>
      %dma_wait3A_23 = tpu.memref_squeeze %dma_wait3A_22 : memref<1x128xi32, #tpu.memory_space<vmem>> -> memref<128xi32, #tpu.memory_space<vmem>>
      %dma_wait3A_24 = arith.constant 0 : i32
      %dma_wait3A_25 = arith.constant 0 : i32
      %dma_wait3A_26 = tpu.memref_slice %arg3[%dma_wait3A_24, %dma_wait3A_25] : memref<10000x64xf32, #tpu.memory_space<hbm>> -> memref<10000x64xf32, #tpu.memory_space<hbm>>
      tpu.wait_indirect_dma semaphore(%arg17 : memref<!tpu.dma_semaphore, #tpu.memory_space<semaphore_mem>>) src(%dma_wait3A_26 : memref<10000x64xf32, #tpu.memory_space<hbm>>) dst(%arg13 : memref<128x64xf32, #tpu.memory_space<vmem>>)
      "tpu.region"() ({
        %run_scoped3A_27 = tpu.sem_alloc : memref<!tpu.dma_semaphore, #tpu.memory_space<semaphore_mem>>
        %dma_start3A_28 = arith.constant 0 : i32
        %dma_start3A_29 = tpu.memref_slice %arg12[%scan3A_16, %dma_start3A_28] : memref<158x128xi32, #tpu.memory_space<vmem>> -> memref<1x128xi32, #tpu.memory_space<vmem>>
        %dma_start3A_30 = tpu.memref_squeeze %dma_start3A_29 : memref<1x128xi32, #tpu.memory_space<vmem>> -> memref<128xi32, #tpu.memory_space<vmem>>
        %dma_start3A_31 = arith.constant 0 : i32
        %dma_start3A_32 = arith.constant 0 : i32
        %dma_start3A_33 = tpu.memref_slice %arg15[%dma_start3A_31, %dma_start3A_32] : memref<10112x64xf32, #tpu.memory_space<vmem_shared>> -> memref<10112x64xf32, #tpu.memory_space<vmem_shared>>
        tpu.enqueue_indirect_dma source(%arg13 : memref<128x64xf32, #tpu.memory_space<vmem>>) target(%dma_start3A_33 : memref<10112x64xf32, #tpu.memory_space<vmem_shared>>) offsets(%dma_start3A_30 : memref<128xi32, #tpu.memory_space<vmem>>) semaphore(%run_scoped3A_27 : memref<!tpu.dma_semaphore, #tpu.memory_space<semaphore_mem>>) {add = true}
        %dma_wait3A_34 = arith.constant 0 : i32
        %dma_wait3A_35 = tpu.memref_slice %arg12[%scan3A_16, %dma_wait3A_34] : memref<158x128xi32, #tpu.memory_space<vmem>> -> memref<1x128xi32, #tpu.memory_space<vmem>>
        %dma_wait3A_36 = tpu.memref_squeeze %dma_wait3A_35 : memref<1x128xi32, #tpu.memory_space<vmem>> -> memref<128xi32, #tpu.memory_space<vmem>>
        %dma_wait3A_37 = arith.constant 0 : i32
        %dma_wait3A_38 = arith.constant 0 : i32
        %dma_wait3A_39 = tpu.memref_slice %arg15[%dma_wait3A_37, %dma_wait3A_38] : memref<10112x64xf32, #tpu.memory_space<vmem_shared>> -> memref<10112x64xf32, #tpu.memory_space<vmem_shared>>
        tpu.wait_indirect_dma semaphore(%run_scoped3A_27 : memref<!tpu.dma_semaphore, #tpu.memory_space<semaphore_mem>>) src(%arg13 : memref<128x64xf32, #tpu.memory_space<vmem>>) dst(%dma_wait3A_39 : memref<10112x64xf32, #tpu.memory_space<vmem_shared>>)
        tpu.yield
      }) : () -> ()
    }
    %scan3A_13 = arith.constant 158 : i32
    %barrier3A_14 = arith.constant 0 : index
    tpu.barrier barrier_id(%barrier3A_14)
    %run_scoped3A_15 = arith.constant 1 : i32
    "tpu.region"() ({
      %run_scoped3A_16 = tpu.sem_alloc : memref<!tpu.dma_semaphore, #tpu.memory_space<semaphore_mem>>
      %dma_start3A = arith.constant 0 : i32
      %dma_start3A_17 = tpu.memref_slice %arg9[%arg0, %run_scoped3A_15, %mul3A_0, %dma_start3A] : memref<2x2x10112x64xf32, #tpu.memory_space<hbm>> -> memref<1x1x632x64xf32, #tpu.memory_space<hbm>>
      %dma_start3A_18 = tpu.memref_squeeze %dma_start3A_17 : memref<1x1x632x64xf32, #tpu.memory_space<hbm>> -> memref<632x64xf32, #tpu.memory_space<hbm>>
      %dma_start3A_19 = arith.constant 0 : i32
      %dma_start3A_20 = tpu.memref_slice %arg15[%mul3A_0, %dma_start3A_19] : memref<10112x64xf32, #tpu.memory_space<vmem_shared>> -> memref<632x64xf32, #tpu.memory_space<vmem_shared>>
      tpu.enqueue_dma source(%dma_start3A_20 : memref<632x64xf32, #tpu.memory_space<vmem_shared>>) target(%dma_start3A_18 : memref<632x64xf32, #tpu.memory_space<hbm>>) target_semaphore(%run_scoped3A_16 : memref<!tpu.dma_semaphore, #tpu.memory_space<semaphore_mem>>)
      %dma_wait3A = arith.constant 0 : i32
      %dma_wait3A_21 = tpu.memref_slice %arg9[%arg0, %run_scoped3A_15, %mul3A_0, %dma_wait3A] : memref<2x2x10112x64xf32, #tpu.memory_space<hbm>> -> memref<1x1x632x64xf32, #tpu.memory_space<hbm>>
      %dma_wait3A_22 = tpu.memref_squeeze %dma_wait3A_21 : memref<1x1x632x64xf32, #tpu.memory_space<hbm>> -> memref<632x64xf32, #tpu.memory_space<hbm>>
      %dma_wait3A_23 = arith.constant 0 : i32
      %dma_wait3A_24 = tpu.memref_slice %arg15[%mul3A_0, %dma_wait3A_23] : memref<10112x64xf32, #tpu.memory_space<vmem_shared>> -> memref<632x64xf32, #tpu.memory_space<vmem_shared>>
      tpu.wait_dma2 semaphore(%run_scoped3A_16 : memref<!tpu.dma_semaphore, #tpu.memory_space<semaphore_mem>>) src(%dma_wait3A_24 : memref<632x64xf32, #tpu.memory_space<vmem_shared>>) dst(%dma_wait3A_22 : memref<632x64xf32, #tpu.memory_space<hbm>>)
      tpu.yield
    }) : () -> ()
    return
  }
}

#map = affine_map<(d0, d1) -> (0, 0)>
#map1 = affine_map<(d0, d1) -> (0, 0, 0, 0)>
module attributes {stable_mosaic.version = 14 : i64} {
  func.func @_sc_scatter_body(%arg0: i32, %arg1: i32, %arg2: memref<10000x64xf32, #tpu.memory_space<hbm>>, %arg3: memref<10000x64xf32, #tpu.memory_space<hbm>>, %arg4: memref<2x16x158x128xi32, #tpu.memory_space<hbm>>, %arg5: memref<2x16x158x128xi32, #tpu.memory_space<hbm>>, %arg6: memref<10112x64xf32, #tpu.memory_space<hbm>>, %arg7: memref<2x2x10112x64xf32, #tpu.memory_space<hbm>>, %arg8: memref<158x128xi32, #tpu.memory_space<vmem>>, %arg9: memref<158x128xi32, #tpu.memory_space<vmem>>, %arg10: memref<128x64xf32, #tpu.memory_space<vmem>>, %arg11: memref<10112x64xf32, #tpu.memory_space<vmem_shared>>, %arg12: memref<!tpu.dma_semaphore, #tpu.memory_space<semaphore_mem>>) attributes {dimension_semantics = [#tpu.dimension_semantics<core_parallel>, #tpu.dimension_semantics<subcore_parallel>], iteration_bounds = array<i64: 2, 16>, scalar_prefetch = 0 : i64, scratch_operands = 5 : i64, tpu.core_type = #tpu.core_type<sc_vector_subcore>, window_params = [{transform_indices = #map}, {transform_indices = #map}, {transform_indices = #map1}, {transform_indices = #map1}, {transform_indices = #map}, {transform_indices = #map1}]} {
    %mul3A = arith.constant 632 : i32
    %mul3A_0 = arith.muli %arg1, %mul3A : i32
    "tpu.region"() ({
      %run_scoped3A_16 = tpu.sem_alloc : memref<!tpu.dma_semaphore, #tpu.memory_space<semaphore_mem>>
      %dma_start3A = arith.constant 0 : i32
      %dma_start3A_17 = arith.constant 0 : i32
      %dma_start3A_18 = tpu.memref_slice %arg4[%arg0, %arg1, %dma_start3A, %dma_start3A_17] : memref<2x16x158x128xi32, #tpu.memory_space<hbm>> -> memref<1x1x158x128xi32, #tpu.memory_space<hbm>>
      %dma_start3A_19 = tpu.memref_squeeze %dma_start3A_18 : memref<1x1x158x128xi32, #tpu.memory_space<hbm>> -> memref<158x128xi32, #tpu.memory_space<hbm>>
      %dma_start3A_20 = arith.constant 0 : i32
      %dma_start3A_21 = arith.constant 0 : i32
      %dma_start3A_22 = tpu.memref_slice %arg4[%arg0, %arg1, %dma_start3A_20, %dma_start3A_21] : memref<2x16x158x128xi32, #tpu.memory_space<hbm>> -> memref<1x1x158x128xi32, #tpu.memory_space<hbm>>
      %dma_start3A_23 = tpu.memref_squeeze %dma_start3A_22 : memref<1x1x158x128xi32, #tpu.memory_space<hbm>> -> memref<158x128xi32, #tpu.memory_space<hbm>>
      tpu.enqueue_dma source(%dma_start3A_23 : memref<158x128xi32, #tpu.memory_space<hbm>>) target(%arg8 : memref<158x128xi32, #tpu.memory_space<vmem>>) target_semaphore(%run_scoped3A_16 : memref<!tpu.dma_semaphore, #tpu.memory_space<semaphore_mem>>)
      %dma_wait3A = arith.constant 0 : i32
      %dma_wait3A_24 = arith.constant 0 : i32
      %dma_wait3A_25 = tpu.memref_slice %arg4[%arg0, %arg1, %dma_wait3A, %dma_wait3A_24] : memref<2x16x158x128xi32, #tpu.memory_space<hbm>> -> memref<1x1x158x128xi32, #tpu.memory_space<hbm>>
      %dma_wait3A_26 = tpu.memref_squeeze %dma_wait3A_25 : memref<1x1x158x128xi32, #tpu.memory_space<hbm>> -> memref<158x128xi32, #tpu.memory_space<hbm>>
      %dma_wait3A_27 = arith.constant 0 : i32
      %dma_wait3A_28 = arith.constant 0 : i32
      %dma_wait3A_29 = tpu.memref_slice %arg4[%arg0, %arg1, %dma_wait3A_27, %dma_wait3A_28] : memref<2x16x158x128xi32, #tpu.memory_space<hbm>> -> memref<1x1x158x128xi32, #tpu.memory_space<hbm>>
      %dma_wait3A_30 = tpu.memref_squeeze %dma_wait3A_29 : memref<1x1x158x128xi32, #tpu.memory_space<hbm>> -> memref<158x128xi32, #tpu.memory_space<hbm>>
      tpu.wait_dma2 semaphore(%run_scoped3A_16 : memref<!tpu.dma_semaphore, #tpu.memory_space<semaphore_mem>>) src(%dma_wait3A_30 : memref<158x128xi32, #tpu.memory_space<hbm>>) dst(%arg8 : memref<158x128xi32, #tpu.memory_space<vmem>>)
      tpu.yield
    }) : () -> ()
    "tpu.region"() ({
      %run_scoped3A_16 = tpu.sem_alloc : memref<!tpu.dma_semaphore, #tpu.memory_space<semaphore_mem>>
      %dma_start3A = arith.constant 0 : i32
      %dma_start3A_17 = arith.constant 0 : i32
      %dma_start3A_18 = tpu.memref_slice %arg5[%arg0, %arg1, %dma_start3A, %dma_start3A_17] : memref<2x16x158x128xi32, #tpu.memory_space<hbm>> -> memref<1x1x158x128xi32, #tpu.memory_space<hbm>>
      %dma_start3A_19 = tpu.memref_squeeze %dma_start3A_18 : memref<1x1x158x128xi32, #tpu.memory_space<hbm>> -> memref<158x128xi32, #tpu.memory_space<hbm>>
      %dma_start3A_20 = arith.constant 0 : i32
      %dma_start3A_21 = arith.constant 0 : i32
      %dma_start3A_22 = tpu.memref_slice %arg5[%arg0, %arg1, %dma_start3A_20, %dma_start3A_21] : memref<2x16x158x128xi32, #tpu.memory_space<hbm>> -> memref<1x1x158x128xi32, #tpu.memory_space<hbm>>
      %dma_start3A_23 = tpu.memref_squeeze %dma_start3A_22 : memref<1x1x158x128xi32, #tpu.memory_space<hbm>> -> memref<158x128xi32, #tpu.memory_space<hbm>>
      tpu.enqueue_dma source(%dma_start3A_23 : memref<158x128xi32, #tpu.memory_space<hbm>>) target(%arg9 : memref<158x128xi32, #tpu.memory_space<vmem>>) target_semaphore(%run_scoped3A_16 : memref<!tpu.dma_semaphore, #tpu.memory_space<semaphore_mem>>)
      %dma_wait3A = arith.constant 0 : i32
      %dma_wait3A_24 = arith.constant 0 : i32
      %dma_wait3A_25 = tpu.memref_slice %arg5[%arg0, %arg1, %dma_wait3A, %dma_wait3A_24] : memref<2x16x158x128xi32, #tpu.memory_space<hbm>> -> memref<1x1x158x128xi32, #tpu.memory_space<hbm>>
      %dma_wait3A_26 = tpu.memref_squeeze %dma_wait3A_25 : memref<1x1x158x128xi32, #tpu.memory_space<hbm>> -> memref<158x128xi32, #tpu.memory_space<hbm>>
      %dma_wait3A_27 = arith.constant 0 : i32
      %dma_wait3A_28 = arith.constant 0 : i32
      %dma_wait3A_29 = tpu.memref_slice %arg5[%arg0, %arg1, %dma_wait3A_27, %dma_wait3A_28] : memref<2x16x158x128xi32, #tpu.memory_space<hbm>> -> memref<1x1x158x128xi32, #tpu.memory_space<hbm>>
      %dma_wait3A_30 = tpu.memref_squeeze %dma_wait3A_29 : memref<1x1x158x128xi32, #tpu.memory_space<hbm>> -> memref<158x128xi32, #tpu.memory_space<hbm>>
      tpu.wait_dma2 semaphore(%run_scoped3A_16 : memref<!tpu.dma_semaphore, #tpu.memory_space<semaphore_mem>>) src(%dma_wait3A_30 : memref<158x128xi32, #tpu.memory_space<hbm>>) dst(%arg9 : memref<158x128xi32, #tpu.memory_space<vmem>>)
      tpu.yield
    }) : () -> ()
    "tpu.region"() ({
      %run_scoped3A_16 = tpu.sem_alloc : memref<!tpu.dma_semaphore, #tpu.memory_space<semaphore_mem>>
      %dma_start3A = arith.constant 0 : i32
      %dma_start3A_17 = tpu.memref_slice %arg11[%mul3A_0, %dma_start3A] : memref<10112x64xf32, #tpu.memory_space<vmem_shared>> -> memref<632x64xf32, #tpu.memory_space<vmem_shared>>
      %dma_start3A_18 = arith.constant 0 : i32
      %dma_start3A_19 = tpu.memref_slice %arg6[%mul3A_0, %dma_start3A_18] : memref<10112x64xf32, #tpu.memory_space<hbm>> -> memref<632x64xf32, #tpu.memory_space<hbm>>
      tpu.enqueue_dma source(%dma_start3A_19 : memref<632x64xf32, #tpu.memory_space<hbm>>) target(%dma_start3A_17 : memref<632x64xf32, #tpu.memory_space<vmem_shared>>) target_semaphore(%run_scoped3A_16 : memref<!tpu.dma_semaphore, #tpu.memory_space<semaphore_mem>>)
      %dma_wait3A = arith.constant 0 : i32
      %dma_wait3A_20 = tpu.memref_slice %arg11[%mul3A_0, %dma_wait3A] : memref<10112x64xf32, #tpu.memory_space<vmem_shared>> -> memref<632x64xf32, #tpu.memory_space<vmem_shared>>
      %dma_wait3A_21 = arith.constant 0 : i32
      %dma_wait3A_22 = tpu.memref_slice %arg6[%mul3A_0, %dma_wait3A_21] : memref<10112x64xf32, #tpu.memory_space<hbm>> -> memref<632x64xf32, #tpu.memory_space<hbm>>
      tpu.wait_dma2 semaphore(%run_scoped3A_16 : memref<!tpu.dma_semaphore, #tpu.memory_space<semaphore_mem>>) src(%dma_wait3A_22 : memref<632x64xf32, #tpu.memory_space<hbm>>) dst(%dma_wait3A_20 : memref<632x64xf32, #tpu.memory_space<vmem_shared>>)
      tpu.yield
    }) : () -> ()
    %barrier3A = arith.constant 0 : index
    tpu.barrier barrier_id(%barrier3A)
    %scan3A = arith.constant 0 : i32
    %scan3A_1 = arith.constant 0 : i32
    %scan3A_2 = arith.constant 158 : i32
    %scan3A_3 = arith.addi %scan3A_1, %scan3A_2 : i32
    %scan3A_4 = arith.constant 1 : i32
    scf.for %scan3A_16 = %scan3A_1 to %scan3A_3 step %scan3A_4  : i32 {
      %dma_start3A = arith.constant 0 : i32
      %dma_start3A_17 = tpu.memref_slice %arg8[%scan3A_16, %dma_start3A] : memref<158x128xi32, #tpu.memory_space<vmem>> -> memref<1x128xi32, #tpu.memory_space<vmem>>
      %dma_start3A_18 = tpu.memref_squeeze %dma_start3A_17 : memref<1x128xi32, #tpu.memory_space<vmem>> -> memref<128xi32, #tpu.memory_space<vmem>>
      %dma_start3A_19 = arith.constant 0 : i32
      %dma_start3A_20 = arith.constant 0 : i32
      %dma_start3A_21 = tpu.memref_slice %arg2[%dma_start3A_19, %dma_start3A_20] : memref<10000x64xf32, #tpu.memory_space<hbm>> -> memref<10000x64xf32, #tpu.memory_space<hbm>>
      tpu.enqueue_indirect_dma source(%dma_start3A_21 : memref<10000x64xf32, #tpu.memory_space<hbm>>) target(%arg10 : memref<128x64xf32, #tpu.memory_space<vmem>>) offsets(%dma_start3A_18 : memref<128xi32, #tpu.memory_space<vmem>>) semaphore(%arg12 : memref<!tpu.dma_semaphore, #tpu.memory_space<semaphore_mem>>)
      %dma_wait3A = arith.constant 0 : i32
      %dma_wait3A_22 = tpu.memref_slice %arg8[%scan3A_16, %dma_wait3A] : memref<158x128xi32, #tpu.memory_space<vmem>> -> memref<1x128xi32, #tpu.memory_space<vmem>>
      %dma_wait3A_23 = tpu.memref_squeeze %dma_wait3A_22 : memref<1x128xi32, #tpu.memory_space<vmem>> -> memref<128xi32, #tpu.memory_space<vmem>>
      %dma_wait3A_24 = arith.constant 0 : i32
      %dma_wait3A_25 = arith.constant 0 : i32
      %dma_wait3A_26 = tpu.memref_slice %arg2[%dma_wait3A_24, %dma_wait3A_25] : memref<10000x64xf32, #tpu.memory_space<hbm>> -> memref<10000x64xf32, #tpu.memory_space<hbm>>
      tpu.wait_indirect_dma semaphore(%arg12 : memref<!tpu.dma_semaphore, #tpu.memory_space<semaphore_mem>>) src(%dma_wait3A_26 : memref<10000x64xf32, #tpu.memory_space<hbm>>) dst(%arg10 : memref<128x64xf32, #tpu.memory_space<vmem>>)
      "tpu.region"() ({
        %run_scoped3A_27 = tpu.sem_alloc : memref<!tpu.dma_semaphore, #tpu.memory_space<semaphore_mem>>
        %dma_start3A_28 = arith.constant 0 : i32
        %dma_start3A_29 = tpu.memref_slice %arg9[%scan3A_16, %dma_start3A_28] : memref<158x128xi32, #tpu.memory_space<vmem>> -> memref<1x128xi32, #tpu.memory_space<vmem>>
        %dma_start3A_30 = tpu.memref_squeeze %dma_start3A_29 : memref<1x128xi32, #tpu.memory_space<vmem>> -> memref<128xi32, #tpu.memory_space<vmem>>
        %dma_start3A_31 = arith.constant 0 : i32
        %dma_start3A_32 = arith.constant 0 : i32
        %dma_start3A_33 = tpu.memref_slice %arg11[%dma_start3A_31, %dma_start3A_32] : memref<10112x64xf32, #tpu.memory_space<vmem_shared>> -> memref<10112x64xf32, #tpu.memory_space<vmem_shared>>
        tpu.enqueue_indirect_dma source(%arg10 : memref<128x64xf32, #tpu.memory_space<vmem>>) target(%dma_start3A_33 : memref<10112x64xf32, #tpu.memory_space<vmem_shared>>) offsets(%dma_start3A_30 : memref<128xi32, #tpu.memory_space<vmem>>) semaphore(%run_scoped3A_27 : memref<!tpu.dma_semaphore, #tpu.memory_space<semaphore_mem>>) {add = true}
        %dma_wait3A_34 = arith.constant 0 : i32
        %dma_wait3A_35 = tpu.memref_slice %arg9[%scan3A_16, %dma_wait3A_34] : memref<158x128xi32, #tpu.memory_space<vmem>> -> memref<1x128xi32, #tpu.memory_space<vmem>>
        %dma_wait3A_36 = tpu.memref_squeeze %dma_wait3A_35 : memref<1x128xi32, #tpu.memory_space<vmem>> -> memref<128xi32, #tpu.memory_space<vmem>>
        %dma_wait3A_37 = arith.constant 0 : i32
        %dma_wait3A_38 = arith.constant 0 : i32
        %dma_wait3A_39 = tpu.memref_slice %arg11[%dma_wait3A_37, %dma_wait3A_38] : memref<10112x64xf32, #tpu.memory_space<vmem_shared>> -> memref<10112x64xf32, #tpu.memory_space<vmem_shared>>
        tpu.wait_indirect_dma semaphore(%run_scoped3A_27 : memref<!tpu.dma_semaphore, #tpu.memory_space<semaphore_mem>>) src(%arg10 : memref<128x64xf32, #tpu.memory_space<vmem>>) dst(%dma_wait3A_39 : memref<10112x64xf32, #tpu.memory_space<vmem_shared>>)
        tpu.yield
      }) : () -> ()
    }
    %scan3A_5 = arith.constant 158 : i32
    %barrier3A_6 = arith.constant 0 : index
    tpu.barrier barrier_id(%barrier3A_6)
    %run_scoped3A = arith.constant 0 : i32
    "tpu.region"() ({
      %run_scoped3A_16 = tpu.sem_alloc : memref<!tpu.dma_semaphore, #tpu.memory_space<semaphore_mem>>
      %dma_start3A = arith.constant 0 : i32
      %dma_start3A_17 = tpu.memref_slice %arg7[%arg0, %run_scoped3A, %mul3A_0, %dma_start3A] : memref<2x2x10112x64xf32, #tpu.memory_space<hbm>> -> memref<1x1x632x64xf32, #tpu.memory_space<hbm>>
      %dma_start3A_18 = tpu.memref_squeeze %dma_start3A_17 : memref<1x1x632x64xf32, #tpu.memory_space<hbm>> -> memref<632x64xf32, #tpu.memory_space<hbm>>
      %dma_start3A_19 = arith.constant 0 : i32
      %dma_start3A_20 = tpu.memref_slice %arg11[%mul3A_0, %dma_start3A_19] : memref<10112x64xf32, #tpu.memory_space<vmem_shared>> -> memref<632x64xf32, #tpu.memory_space<vmem_shared>>
      tpu.enqueue_dma source(%dma_start3A_20 : memref<632x64xf32, #tpu.memory_space<vmem_shared>>) target(%dma_start3A_18 : memref<632x64xf32, #tpu.memory_space<hbm>>) target_semaphore(%run_scoped3A_16 : memref<!tpu.dma_semaphore, #tpu.memory_space<semaphore_mem>>)
      %dma_wait3A = arith.constant 0 : i32
      %dma_wait3A_21 = tpu.memref_slice %arg7[%arg0, %run_scoped3A, %mul3A_0, %dma_wait3A] : memref<2x2x10112x64xf32, #tpu.memory_space<hbm>> -> memref<1x1x632x64xf32, #tpu.memory_space<hbm>>
      %dma_wait3A_22 = tpu.memref_squeeze %dma_wait3A_21 : memref<1x1x632x64xf32, #tpu.memory_space<hbm>> -> memref<632x64xf32, #tpu.memory_space<hbm>>
      %dma_wait3A_23 = arith.constant 0 : i32
      %dma_wait3A_24 = tpu.memref_slice %arg11[%mul3A_0, %dma_wait3A_23] : memref<10112x64xf32, #tpu.memory_space<vmem_shared>> -> memref<632x64xf32, #tpu.memory_space<vmem_shared>>
      tpu.wait_dma2 semaphore(%run_scoped3A_16 : memref<!tpu.dma_semaphore, #tpu.memory_space<semaphore_mem>>) src(%dma_wait3A_24 : memref<632x64xf32, #tpu.memory_space<vmem_shared>>) dst(%dma_wait3A_22 : memref<632x64xf32, #tpu.memory_space<hbm>>)
      tpu.yield
    }) : () -> ()
    "tpu.region"() ({
      %run_scoped3A_16 = tpu.sem_alloc : memref<!tpu.dma_semaphore, #tpu.memory_space<semaphore_mem>>
      %dma_start3A = arith.constant 0 : i32
      %dma_start3A_17 = tpu.memref_slice %arg11[%mul3A_0, %dma_start3A] : memref<10112x64xf32, #tpu.memory_space<vmem_shared>> -> memref<632x64xf32, #tpu.memory_space<vmem_shared>>
      %dma_start3A_18 = arith.constant 0 : i32
      %dma_start3A_19 = tpu.memref_slice %arg6[%mul3A_0, %dma_start3A_18] : memref<10112x64xf32, #tpu.memory_space<hbm>> -> memref<632x64xf32, #tpu.memory_space<hbm>>
      tpu.enqueue_dma source(%dma_start3A_19 : memref<632x64xf32, #tpu.memory_space<hbm>>) target(%dma_start3A_17 : memref<632x64xf32, #tpu.memory_space<vmem_shared>>) target_semaphore(%run_scoped3A_16 : memref<!tpu.dma_semaphore, #tpu.memory_space<semaphore_mem>>)
      %dma_wait3A = arith.constant 0 : i32
      %dma_wait3A_20 = tpu.memref_slice %arg11[%mul3A_0, %dma_wait3A] : memref<10112x64xf32, #tpu.memory_space<vmem_shared>> -> memref<632x64xf32, #tpu.memory_space<vmem_shared>>
      %dma_wait3A_21 = arith.constant 0 : i32
      %dma_wait3A_22 = tpu.memref_slice %arg6[%mul3A_0, %dma_wait3A_21] : memref<10112x64xf32, #tpu.memory_space<hbm>> -> memref<632x64xf32, #tpu.memory_space<hbm>>
      tpu.wait_dma2 semaphore(%run_scoped3A_16 : memref<!tpu.dma_semaphore, #tpu.memory_space<semaphore_mem>>) src(%dma_wait3A_22 : memref<632x64xf32, #tpu.memory_space<hbm>>) dst(%dma_wait3A_20 : memref<632x64xf32, #tpu.memory_space<vmem_shared>>)
      tpu.yield
    }) : () -> ()
    %barrier3A_7 = arith.constant 0 : index
    tpu.barrier barrier_id(%barrier3A_7)
    %scan3A_8 = arith.constant 0 : i32
    %scan3A_9 = arith.constant 0 : i32
    %scan3A_10 = arith.constant 158 : i32
    %scan3A_11 = arith.addi %scan3A_9, %scan3A_10 : i32
    %scan3A_12 = arith.constant 1 : i32
    scf.for %scan3A_16 = %scan3A_9 to %scan3A_11 step %scan3A_12  : i32 {
      %dma_start3A = arith.constant 0 : i32
      %dma_start3A_17 = tpu.memref_slice %arg8[%scan3A_16, %dma_start3A] : memref<158x128xi32, #tpu.memory_space<vmem>> -> memref<1x128xi32, #tpu.memory_space<vmem>>
      %dma_start3A_18 = tpu.memref_squeeze %dma_start3A_17 : memref<1x128xi32, #tpu.memory_space<vmem>> -> memref<128xi32, #tpu.memory_space<vmem>>
      %dma_start3A_19 = arith.constant 0 : i32
      %dma_start3A_20 = arith.constant 0 : i32
      %dma_start3A_21 = tpu.memref_slice %arg3[%dma_start3A_19, %dma_start3A_20] : memref<10000x64xf32, #tpu.memory_space<hbm>> -> memref<10000x64xf32, #tpu.memory_space<hbm>>
      tpu.enqueue_indirect_dma source(%dma_start3A_21 : memref<10000x64xf32, #tpu.memory_space<hbm>>) target(%arg10 : memref<128x64xf32, #tpu.memory_space<vmem>>) offsets(%dma_start3A_18 : memref<128xi32, #tpu.memory_space<vmem>>) semaphore(%arg12 : memref<!tpu.dma_semaphore, #tpu.memory_space<semaphore_mem>>)
      %dma_wait3A = arith.constant 0 : i32
      %dma_wait3A_22 = tpu.memref_slice %arg8[%scan3A_16, %dma_wait3A] : memref<158x128xi32, #tpu.memory_space<vmem>> -> memref<1x128xi32, #tpu.memory_space<vmem>>
      %dma_wait3A_23 = tpu.memref_squeeze %dma_wait3A_22 : memref<1x128xi32, #tpu.memory_space<vmem>> -> memref<128xi32, #tpu.memory_space<vmem>>
      %dma_wait3A_24 = arith.constant 0 : i32
      %dma_wait3A_25 = arith.constant 0 : i32
      %dma_wait3A_26 = tpu.memref_slice %arg3[%dma_wait3A_24, %dma_wait3A_25] : memref<10000x64xf32, #tpu.memory_space<hbm>> -> memref<10000x64xf32, #tpu.memory_space<hbm>>
      tpu.wait_indirect_dma semaphore(%arg12 : memref<!tpu.dma_semaphore, #tpu.memory_space<semaphore_mem>>) src(%dma_wait3A_26 : memref<10000x64xf32, #tpu.memory_space<hbm>>) dst(%arg10 : memref<128x64xf32, #tpu.memory_space<vmem>>)
      "tpu.region"() ({
        %run_scoped3A_27 = tpu.sem_alloc : memref<!tpu.dma_semaphore, #tpu.memory_space<semaphore_mem>>
        %dma_start3A_28 = arith.constant 0 : i32
        %dma_start3A_29 = tpu.memref_slice %arg9[%scan3A_16, %dma_start3A_28] : memref<158x128xi32, #tpu.memory_space<vmem>> -> memref<1x128xi32, #tpu.memory_space<vmem>>
        %dma_start3A_30 = tpu.memref_squeeze %dma_start3A_29 : memref<1x128xi32, #tpu.memory_space<vmem>> -> memref<128xi32, #tpu.memory_space<vmem>>
        %dma_start3A_31 = arith.constant 0 : i32
        %dma_start3A_32 = arith.constant 0 : i32
        %dma_start3A_33 = tpu.memref_slice %arg11[%dma_start3A_31, %dma_start3A_32] : memref<10112x64xf32, #tpu.memory_space<vmem_shared>> -> memref<10112x64xf32, #tpu.memory_space<vmem_shared>>
        tpu.enqueue_indirect_dma source(%arg10 : memref<128x64xf32, #tpu.memory_space<vmem>>) target(%dma_start3A_33 : memref<10112x64xf32, #tpu.memory_space<vmem_shared>>) offsets(%dma_start3A_30 : memref<128xi32, #tpu.memory_space<vmem>>) semaphore(%run_scoped3A_27 : memref<!tpu.dma_semaphore, #tpu.memory_space<semaphore_mem>>) {add = true}
        %dma_wait3A_34 = arith.constant 0 : i32
        %dma_wait3A_35 = tpu.memref_slice %arg9[%scan3A_16, %dma_wait3A_34] : memref<158x128xi32, #tpu.memory_space<vmem>> -> memref<1x128xi32, #tpu.memory_space<vmem>>
        %dma_wait3A_36 = tpu.memref_squeeze %dma_wait3A_35 : memref<1x128xi32, #tpu.memory_space<vmem>> -> memref<128xi32, #tpu.memory_space<vmem>>
        %dma_wait3A_37 = arith.constant 0 : i32
        %dma_wait3A_38 = arith.constant 0 : i32
        %dma_wait3A_39 = tpu.memref_slice %arg11[%dma_wait3A_37, %dma_wait3A_38] : memref<10112x64xf32, #tpu.memory_space<vmem_shared>> -> memref<10112x64xf32, #tpu.memory_space<vmem_shared>>
        tpu.wait_indirect_dma semaphore(%run_scoped3A_27 : memref<!tpu.dma_semaphore, #tpu.memory_space<semaphore_mem>>) src(%arg10 : memref<128x64xf32, #tpu.memory_space<vmem>>) dst(%dma_wait3A_39 : memref<10112x64xf32, #tpu.memory_space<vmem_shared>>)
        tpu.yield
      }) : () -> ()
    }
    %scan3A_13 = arith.constant 158 : i32
    %barrier3A_14 = arith.constant 0 : index
    tpu.barrier barrier_id(%barrier3A_14)
    %run_scoped3A_15 = arith.constant 1 : i32
    "tpu.region"() ({
      %run_scoped3A_16 = tpu.sem_alloc : memref<!tpu.dma_semaphore, #tpu.memory_space<semaphore_mem>>
      %dma_start3A = arith.constant 0 : i32
      %dma_start3A_17 = tpu.memref_slice %arg7[%arg0, %run_scoped3A_15, %mul3A_0, %dma_start3A] : memref<2x2x10112x64xf32, #tpu.memory_space<hbm>> -> memref<1x1x632x64xf32, #tpu.memory_space<hbm>>
      %dma_start3A_18 = tpu.memref_squeeze %dma_start3A_17 : memref<1x1x632x64xf32, #tpu.memory_space<hbm>> -> memref<632x64xf32, #tpu.memory_space<hbm>>
      %dma_start3A_19 = arith.constant 0 : i32
      %dma_start3A_20 = tpu.memref_slice %arg11[%mul3A_0, %dma_start3A_19] : memref<10112x64xf32, #tpu.memory_space<vmem_shared>> -> memref<632x64xf32, #tpu.memory_space<vmem_shared>>
      tpu.enqueue_dma source(%dma_start3A_20 : memref<632x64xf32, #tpu.memory_space<vmem_shared>>) target(%dma_start3A_18 : memref<632x64xf32, #tpu.memory_space<hbm>>) target_semaphore(%run_scoped3A_16 : memref<!tpu.dma_semaphore, #tpu.memory_space<semaphore_mem>>)
      %dma_wait3A = arith.constant 0 : i32
      %dma_wait3A_21 = tpu.memref_slice %arg7[%arg0, %run_scoped3A_15, %mul3A_0, %dma_wait3A] : memref<2x2x10112x64xf32, #tpu.memory_space<hbm>> -> memref<1x1x632x64xf32, #tpu.memory_space<hbm>>
      %dma_wait3A_22 = tpu.memref_squeeze %dma_wait3A_21 : memref<1x1x632x64xf32, #tpu.memory_space<hbm>> -> memref<632x64xf32, #tpu.memory_space<hbm>>
      %dma_wait3A_23 = arith.constant 0 : i32
      %dma_wait3A_24 = tpu.memref_slice %arg11[%mul3A_0, %dma_wait3A_23] : memref<10112x64xf32, #tpu.memory_space<vmem_shared>> -> memref<632x64xf32, #tpu.memory_space<vmem_shared>>
      tpu.wait_dma2 semaphore(%run_scoped3A_16 : memref<!tpu.dma_semaphore, #tpu.memory_space<semaphore_mem>>) src(%dma_wait3A_24 : memref<632x64xf32, #tpu.memory_space<vmem_shared>>) dst(%dma_wait3A_22 : memref<632x64xf32, #tpu.memory_space<hbm>>)
      tpu.yield
    }) : () -> ()
    return
  }
}

module attributes {stable_mosaic.version = 14 : i64} {
  func.func @body(%arg0: memref<10000x128xf32, #tpu.memory_space<vmem>>, %arg1: memref<10000x128xf32, #tpu.memory_space<vmem>>) attributes {dimension_semantics = [], scalar_prefetch = 0 : i64, scratch_operands = 0 : i64, tpu.core_type = #tpu.core_type<tc>} {
    %get3A = arith.constant 0 : index
    %get3A_0 = arith.constant 0 : index
    %get3A_1 = vector.load %arg0[%get3A, %get3A_0] : memref<10000x128xf32, #tpu.memory_space<vmem>>, vector<10000x128xf32>
    %convert_element_type3A = arith.truncf %get3A_1 : vector<10000x128xf32> to vector<10000x128xbf16>
    %convert_element_type3A_2 = arith.extf %convert_element_type3A : vector<10000x128xbf16> to vector<10000x128xf32>
    %swap3A = arith.constant 0 : index
    %swap3A_3 = arith.constant 0 : index
    %swap3A_4 = vector.load %arg1[%swap3A, %swap3A_3] : memref<10000x128xf32, #tpu.memory_space<vmem>>, vector<10000x128xf32>
    tpu.vector_store %arg1[%swap3A, %swap3A_3], %convert_element_type3A_2 {strides = array<i32>} : memref<10000x128xf32, #tpu.memory_space<vmem>>, vector<10000x128xf32>,
    return
  }
}

module attributes {stable_mosaic.version = 14 : i64} {
  func.func @body(%arg0: memref<256x256xf32, #tpu.memory_space<vmem>>, %arg1: memref<256x256xf32, #tpu.memory_space<vmem>>) attributes {dimension_semantics = [], scalar_prefetch = 0 : i64, scratch_operands = 0 : i64, tpu.core_type = #tpu.core_type<tc>} {
    %get3A = arith.constant 0 : index
    %get3A_0 = arith.constant 0 : index
    %get3A_1 = vector.load %arg0[%get3A, %get3A_0] : memref<256x256xf32, #tpu.memory_space<vmem>>, vector<256x256xf32>
    %convert_element_type3A = arith.truncf %get3A_1 : vector<256x256xf32> to vector<256x256xbf16>
    %convert_element_type3A_2 = arith.extf %convert_element_type3A : vector<256x256xbf16> to vector<256x256xf32>
    %swap3A = arith.constant 0 : index
    %swap3A_3 = arith.constant 0 : index
    %swap3A_4 = vector.load %arg1[%swap3A, %swap3A_3] : memref<256x256xf32, #tpu.memory_space<vmem>>, vector<256x256xf32>
    tpu.vector_store %arg1[%swap3A, %swap3A_3], %convert_element_type3A_2 {strides = array<i32>} : memref<256x256xf32, #tpu.memory_space<vmem>>, vector<256x256xf32>,
    return
  }
}

module attributes {stable_mosaic.version = 14 : i64} {
  func.func @_tc_layer_body(%arg0: i32, %arg1: memref<2000x128xf32, #tpu.memory_space<vmem>>, %arg2: memref<2000x128xf32, #tpu.memory_space<vmem>>, %arg3: memref<2000x128xf32, #tpu.memory_space<vmem>>, %arg4: memref<2000x128xf32, #tpu.memory_space<vmem>>, %arg5: memref<2000x16xf32, #tpu.memory_space<vmem>>, %arg6: memref<2000x16xf32, #tpu.memory_space<vmem>>, %arg7: memref<256x256xf32, #tpu.memory_space<vmem>>, %arg8: memref<256x256xf32, #tpu.memory_space<vmem>>, %arg9: memref<1x256xf32, #tpu.memory_space<vmem>>, %arg10: memref<1x256xf32, #tpu.memory_space<vmem>>, %arg11: memref<256x384xf32, #tpu.memory_space<vmem>>, %arg12: memref<128x384xf32, #tpu.memory_space<vmem>>, %arg13: memref<1x384xf32, #tpu.memory_space<vmem>>, %arg14: memref<1x384xf32, #tpu.memory_space<vmem>>, %arg15: memref<2000x128xf32, #tpu.memory_space<vmem>>) attributes {dimension_semantics = [#tpu.dimension_semantics<arbitrary>], iteration_bounds = array<i64: 5>, scalar_prefetch = 0 : i64, scratch_operands = 0 : i64, tpu.core_type = #tpu.core_type<tc>, window_params = [{transform_indices = @transform_0, window_bounds = array<i64: 2000, 128>}, {transform_indices = @transform_1, window_bounds = array<i64: 2000, 128>}, {transform_indices = @transform_2, window_bounds = array<i64: 2000, 128>}, {transform_indices = @transform_3, window_bounds = array<i64: 2000, 128>}, {transform_indices = @transform_4, window_bounds = array<i64: 2000, 16>}, {transform_indices = @transform_5, window_bounds = array<i64: 2000, 16>}, {pipeline_mode = #tpu.pipeline_mode<synchronous>, transform_indices = @transform_6, window_bounds = array<i64: 256, 256>}, {pipeline_mode = #tpu.pipeline_mode<synchronous>, transform_indices = @transform_7, window_bounds = array<i64: 256, 256>}, {pipeline_mode = #tpu.pipeline_mode<synchronous>, transform_indices = @transform_8, window_bounds = array<i64: 1, 256>}, {pipeline_mode = #tpu.pipeline_mode<synchronous>, transform_indices = @transform_9, window_bounds = array<i64: 1, 256>}, {pipeline_mode = #tpu.pipeline_mode<synchronous>, transform_indices = @transform_10, window_bounds = array<i64: 256, 384>}, {pipeline_mode = #tpu.pipeline_mode<synchronous>, transform_indices = @transform_11, window_bounds = array<i64: 128, 384>}, {pipeline_mode = #tpu.pipeline_mode<synchronous>, transform_indices = @transform_12, window_bounds = array<i64: 1, 384>}, {pipeline_mode = #tpu.pipeline_mode<synchronous>, transform_indices = @transform_13, window_bounds = array<i64: 1, 384>}, {transform_indices = @transform_14, window_bounds = array<i64: 2000, 128>}]} {
    %get3A = arith.constant 0 : index
    %get3A_0 = arith.constant 0 : index
    %get3A_1 = vector.load %arg1[%get3A, %get3A_0] : memref<2000x128xf32, #tpu.memory_space<vmem>>, vector<2000x128xf32>
    %get3A_2 = arith.constant 0 : index
    %get3A_3 = arith.constant 0 : index
    %get3A_4 = vector.load %arg2[%get3A_2, %get3A_3] : memref<2000x128xf32, #tpu.memory_space<vmem>>, vector<2000x128xf32>
    %get3A_5 = arith.constant 0 : index
    %get3A_6 = arith.constant 0 : index
    %get3A_7 = vector.load %arg5[%get3A_5, %get3A_6] : memref<2000x16xf32, #tpu.memory_space<vmem>>, vector<2000x16xf32>
    %slice3A = vector.extract_strided_slice %get3A_7 {offsets = [0, 0], sizes = [2000, 1], strides = [1, 1]} : vector<2000x16xf32> to vector<2000x1xf32>
    %get3A_8 = arith.constant 0 : index
    %get3A_9 = arith.constant 0 : index
    %get3A_10 = vector.load %arg6[%get3A_8, %get3A_9] : memref<2000x16xf32, #tpu.memory_space<vmem>>, vector<2000x16xf32>
    %slice3A_11 = vector.extract_strided_slice %get3A_10 {offsets = [0, 0], sizes = [2000, 1], strides = [1, 1]} : vector<2000x16xf32> to vector<2000x1xf32>
    %get3A_12 = arith.constant 0 : index
    %get3A_13 = arith.constant 0 : index
    %get3A_14 = vector.load %arg3[%get3A_12, %get3A_13] : memref<2000x128xf32, #tpu.memory_space<vmem>>, vector<2000x128xf32>
    %mul3A = vector.broadcast %slice3A : vector<2000x1xf32> to vector<2000x128xf32>
    %mul3A_15 = arith.mulf %mul3A, %get3A_4 : vector<2000x128xf32>
    %concatenate3A = tpu.concatenate %get3A_14, %mul3A_15 in 1 : vector<2000x128xf32>, vector<2000x128xf32> -> vector<2000x256xf32>
    %get3A_16 = arith.constant 0 : index
    %get3A_17 = arith.constant 0 : index
    %get3A_18 = vector.load %arg4[%get3A_16, %get3A_17] : memref<2000x128xf32, #tpu.memory_space<vmem>>, vector<2000x128xf32>
    %mul3A_19 = vector.broadcast %slice3A_11 : vector<2000x1xf32> to vector<2000x128xf32>
    %mul3A_20 = arith.mulf %mul3A_19, %get3A_4 : vector<2000x128xf32>
    %concatenate3A_21 = tpu.concatenate %get3A_18, %mul3A_20 in 1 : vector<2000x128xf32>, vector<2000x128xf32> -> vector<2000x256xf32>
    %get3A_22 = arith.constant 0 : index
    %get3A_23 = arith.constant 0 : index
    %get3A_24 = vector.load %arg7[%get3A_22, %get3A_23] : memref<256x256xf32, #tpu.memory_space<vmem>>, vector<256x256xf32>
    %dot_general3A = arith.constant dense<0.000000e+00> : vector<2000x256xf32>
    %dot_general3A_25 = tpu.matmul %concatenate3A, %get3A_24, %dot_general3A {dimension_numbers = #tpu.dot_dimension_numbers<[1], [0], [0], [1], [0, 0, 1, 1], [], []>, precision = #tpu.contract_precision<fp32>, transpose_lhs_hint = false} : vector<2000x256xf32>, vector<256x256xf32>, vector<2000x256xf32> -> vector<2000x256xf32>
    %get3A_26 = arith.constant 0 : index
    %get3A_27 = arith.constant 0 : index
    %get3A_28 = vector.load %arg8[%get3A_26, %get3A_27] : memref<256x256xf32, #tpu.memory_space<vmem>>, vector<256x256xf32>
    %dot_general3A_29 = arith.constant dense<0.000000e+00> : vector<2000x256xf32>
    %dot_general3A_30 = tpu.matmul %concatenate3A_21, %get3A_28, %dot_general3A_29 {dimension_numbers = #tpu.dot_dimension_numbers<[1], [0], [0], [1], [0, 0, 1, 1], [], []>, precision = #tpu.contract_precision<fp32>, transpose_lhs_hint = false} : vector<2000x256xf32>, vector<256x256xf32>, vector<2000x256xf32> -> vector<2000x256xf32>
    %add3A = arith.addf %dot_general3A_25, %dot_general3A_30 : vector<2000x256xf32>
    %get3A_31 = arith.constant 0 : index
    %get3A_32 = arith.constant 0 : index
    %get3A_33 = vector.load %arg9[%get3A_31, %get3A_32] : memref<1x256xf32, #tpu.memory_space<vmem>>, vector<1x256xf32>
    %mul3A_34 = vector.broadcast %slice3A : vector<2000x1xf32> to vector<2000x256xf32>
    %mul3A_35 = vector.broadcast %get3A_33 : vector<1x256xf32> to vector<2000x256xf32>
    %mul3A_36 = arith.mulf %mul3A_34, %mul3A_35 : vector<2000x256xf32>
    %add3A_37 = arith.addf %add3A, %mul3A_36 : vector<2000x256xf32>
    %get3A_38 = arith.constant 0 : index
    %get3A_39 = arith.constant 0 : index
    %get3A_40 = vector.load %arg10[%get3A_38, %get3A_39] : memref<1x256xf32, #tpu.memory_space<vmem>>, vector<1x256xf32>
    %mul3A_41 = vector.broadcast %slice3A_11 : vector<2000x1xf32> to vector<2000x256xf32>
    %mul3A_42 = vector.broadcast %get3A_40 : vector<1x256xf32> to vector<2000x256xf32>
    %mul3A_43 = arith.mulf %mul3A_41, %mul3A_42 : vector<2000x256xf32>
    %add3A_44 = arith.addf %add3A_37, %mul3A_43 : vector<2000x256xf32>
    %get3A_45 = arith.constant 0 : index
    %get3A_46 = arith.constant 0 : index
    %get3A_47 = vector.load %arg11[%get3A_45, %get3A_46] : memref<256x384xf32, #tpu.memory_space<vmem>>, vector<256x384xf32>
    %dot_general3A_48 = arith.constant dense<0.000000e+00> : vector<2000x384xf32>
    %dot_general3A_49 = tpu.matmul %add3A_44, %get3A_47, %dot_general3A_48 {dimension_numbers = #tpu.dot_dimension_numbers<[1], [0], [0], [1], [0, 0, 1, 1], [], []>, transpose_lhs_hint = false} : vector<2000x256xf32>, vector<256x384xf32>, vector<2000x384xf32> -> vector<2000x384xf32>
    %get3A_50 = arith.constant 0 : index
    %get3A_51 = arith.constant 0 : index
    %get3A_52 = vector.load %arg13[%get3A_50, %get3A_51] : memref<1x384xf32, #tpu.memory_space<vmem>>, vector<1x384xf32>
    %add3A_53 = vector.broadcast %get3A_52 : vector<1x384xf32> to vector<2000x384xf32>
    %add3A_54 = arith.addf %dot_general3A_49, %add3A_53 : vector<2000x384xf32>
    %get3A_55 = arith.constant 0 : index
    %get3A_56 = arith.constant 0 : index
    %get3A_57 = vector.load %arg12[%get3A_55, %get3A_56] : memref<128x384xf32, #tpu.memory_space<vmem>>, vector<128x384xf32>
    %dot_general3A_58 = arith.constant dense<0.000000e+00> : vector<2000x384xf32>
    %dot_general3A_59 = tpu.matmul %get3A_1, %get3A_57, %dot_general3A_58 {dimension_numbers = #tpu.dot_dimension_numbers<[1], [0], [0], [1], [0, 0, 1, 1], [], []>, transpose_lhs_hint = false} : vector<2000x128xf32>, vector<128x384xf32>, vector<2000x384xf32> -> vector<2000x384xf32>
    %get3A_60 = arith.constant 0 : index
    %get3A_61 = arith.constant 0 : index
    %get3A_62 = vector.load %arg14[%get3A_60, %get3A_61] : memref<1x384xf32, #tpu.memory_space<vmem>>, vector<1x384xf32>
    %add3A_63 = vector.broadcast %get3A_62 : vector<1x384xf32> to vector<2000x384xf32>
    %add3A_64 = arith.addf %dot_general3A_59, %add3A_63 : vector<2000x384xf32>
    %slice3A_65 = vector.extract_strided_slice %add3A_54 {offsets = [0, 0], sizes = [2000, 128], strides = [1, 1]} : vector<2000x384xf32> to vector<2000x128xf32>
    %slice3A_66 = vector.extract_strided_slice %add3A_64 {offsets = [0, 0], sizes = [2000, 128], strides = [1, 1]} : vector<2000x384xf32> to vector<2000x128xf32>
    %add3A_67 = arith.addf %slice3A_65, %slice3A_66 : vector<2000x128xf32>
    %logistic3A = arith.negf %add3A_67 : vector<2000x128xf32>
    %logistic3A_68 = math.exp %logistic3A : vector<2000x128xf32>
    %logistic3A_69 = arith.constant 1.000000e+00 : f32
    %logistic3A_70 = vector.broadcast %logistic3A_69 : f32 to vector<2000x128xf32>
    %logistic3A_71 = arith.addf %logistic3A_70, %logistic3A_68 : vector<2000x128xf32>
    %logistic3A_72 = arith.divf %logistic3A_70, %logistic3A_71 : vector<2000x128xf32>
    %slice3A_73 = vector.extract_strided_slice %add3A_54 {offsets = [0, 128], sizes = [2000, 128], strides = [1, 1]} : vector<2000x384xf32> to vector<2000x128xf32>
    %slice3A_74 = vector.extract_strided_slice %add3A_64 {offsets = [0, 128], sizes = [2000, 128], strides = [1, 1]} : vector<2000x384xf32> to vector<2000x128xf32>
    %add3A_75 = arith.addf %slice3A_73, %slice3A_74 : vector<2000x128xf32>
    %logistic3A_76 = arith.negf %add3A_75 : vector<2000x128xf32>
    %logistic3A_77 = math.exp %logistic3A_76 : vector<2000x128xf32>
    %logistic3A_78 = arith.constant 1.000000e+00 : f32
    %logistic3A_79 = vector.broadcast %logistic3A_78 : f32 to vector<2000x128xf32>
    %logistic3A_80 = arith.addf %logistic3A_79, %logistic3A_77 : vector<2000x128xf32>
    %logistic3A_81 = arith.divf %logistic3A_79, %logistic3A_80 : vector<2000x128xf32>
    %slice3A_82 = vector.extract_strided_slice %add3A_54 {offsets = [0, 256], sizes = [2000, 128], strides = [1, 1]} : vector<2000x384xf32> to vector<2000x128xf32>
    %slice3A_83 = vector.extract_strided_slice %add3A_64 {offsets = [0, 256], sizes = [2000, 128], strides = [1, 1]} : vector<2000x384xf32> to vector<2000x128xf32>
    %mul3A_84 = arith.mulf %logistic3A_72, %slice3A_83 : vector<2000x128xf32>
    %add3A_85 = arith.addf %slice3A_82, %mul3A_84 : vector<2000x128xf32>
    %tanh3A = math.tanh %add3A_85 : vector<2000x128xf32>
    %sub3A = arith.constant 1.000000e+00 : f32
    %sub3A_86 = vector.broadcast %sub3A : f32 to vector<2000x128xf32>
    %sub3A_87 = arith.subf %sub3A_86, %logistic3A_81 : vector<2000x128xf32>
    %mul3A_88 = arith.mulf %sub3A_87, %tanh3A : vector<2000x128xf32>
    %mul3A_89 = arith.mulf %logistic3A_81, %get3A_1 : vector<2000x128xf32>
    %add3A_90 = arith.addf %mul3A_88, %mul3A_89 : vector<2000x128xf32>
    %swap3A = arith.constant 0 : index
    %swap3A_91 = arith.constant 0 : index
    %swap3A_92 = vector.load %arg15[%swap3A, %swap3A_91] : memref<2000x128xf32, #tpu.memory_space<vmem>>, vector<2000x128xf32>
    tpu.vector_store %arg15[%swap3A, %swap3A_91], %add3A_90 {strides = array<i32>} : memref<2000x128xf32, #tpu.memory_space<vmem>>, vector<2000x128xf32>,
    return
  }
  func.func @transform_0(%arg0: i32) -> (i32, i32) {
    %c0_i32 = arith.constant 0 : i32
    %c0_i32_0 = arith.constant 0 : i32
    return %arg0, %c0_i32 : i32, i32
  }
  func.func @transform_1(%arg0: i32) -> (i32, i32) {
    %c0_i32 = arith.constant 0 : i32
    %c0_i32_0 = arith.constant 0 : i32
    return %arg0, %c0_i32 : i32, i32
  }
  func.func @transform_2(%arg0: i32) -> (i32, i32) {
    %c0_i32 = arith.constant 0 : i32
    %c0_i32_0 = arith.constant 0 : i32
    return %arg0, %c0_i32 : i32, i32
  }
  func.func @transform_3(%arg0: i32) -> (i32, i32) {
    %c0_i32 = arith.constant 0 : i32
    %c0_i32_0 = arith.constant 0 : i32
    return %arg0, %c0_i32 : i32, i32
  }
  func.func @transform_4(%arg0: i32) -> (i32, i32) {
    %c0_i32 = arith.constant 0 : i32
    %c0_i32_0 = arith.constant 0 : i32
    return %arg0, %c0_i32 : i32, i32
  }
  func.func @transform_5(%arg0: i32) -> (i32, i32) {
    %c0_i32 = arith.constant 0 : i32
    %c0_i32_0 = arith.constant 0 : i32
    return %arg0, %c0_i32 : i32, i32
  }
  func.func @transform_6(%arg0: i32) -> (i32, i32) {
    %c0_i32 = arith.constant 0 : i32
    %c0_i32_0 = arith.constant 0 : i32
    %c0_i32_1 = arith.constant 0 : i32
    return %c0_i32, %c0_i32_0 : i32, i32
  }
  func.func @transform_7(%arg0: i32) -> (i32, i32) {
    %c0_i32 = arith.constant 0 : i32
    %c0_i32_0 = arith.constant 0 : i32
    %c0_i32_1 = arith.constant 0 : i32
    return %c0_i32, %c0_i32_0 : i32, i32
  }
  func.func @transform_8(%arg0: i32) -> (i32, i32) {
    %c0_i32 = arith.constant 0 : i32
    %c0_i32_0 = arith.constant 0 : i32
    %c0_i32_1 = arith.constant 0 : i32
    return %c0_i32, %c0_i32_0 : i32, i32
  }
  func.func @transform_9(%arg0: i32) -> (i32, i32) {
    %c0_i32 = arith.constant 0 : i32
    %c0_i32_0 = arith.constant 0 : i32
    %c0_i32_1 = arith.constant 0 : i32
    return %c0_i32, %c0_i32_0 : i32, i32
  }
  func.func @transform_10(%arg0: i32) -> (i32, i32) {
    %c0_i32 = arith.constant 0 : i32
    %c0_i32_0 = arith.constant 0 : i32
    %c0_i32_1 = arith.constant 0 : i32
    return %c0_i32, %c0_i32_0 : i32, i32
  }
  func.func @transform_11(%arg0: i32) -> (i32, i32) {
    %c0_i32 = arith.constant 0 : i32
    %c0_i32_0 = arith.constant 0 : i32
    %c0_i32_1 = arith.constant 0 : i32
    return %c0_i32, %c0_i32_0 : i32, i32
  }
  func.func @transform_12(%arg0: i32) -> (i32, i32) {
    %c0_i32 = arith.constant 0 : i32
    %c0_i32_0 = arith.constant 0 : i32
    %c0_i32_1 = arith.constant 0 : i32
    return %c0_i32, %c0_i32_0 : i32, i32
  }
  func.func @transform_13(%arg0: i32) -> (i32, i32) {
    %c0_i32 = arith.constant 0 : i32
    %c0_i32_0 = arith.constant 0 : i32
    %c0_i32_1 = arith.constant 0 : i32
    return %c0_i32, %c0_i32_0 : i32, i32
  }
  func.func @transform_14(%arg0: i32) -> (i32, i32) {
    %c0_i32 = arith.constant 0 : i32
    %c0_i32_0 = arith.constant 0 : i32
    return %arg0, %c0_i32 : i32, i32
  }
}

module attributes {stable_mosaic.version = 14 : i64} {
  func.func @_tc_layer_body(%arg0: i32, %arg1: memref<2000x128xf32, #tpu.memory_space<vmem>>, %arg2: memref<2000x128xf32, #tpu.memory_space<vmem>>, %arg3: memref<2000x128xf32, #tpu.memory_space<vmem>>, %arg4: memref<2000x128xf32, #tpu.memory_space<vmem>>, %arg5: memref<2000x16xf32, #tpu.memory_space<vmem>>, %arg6: memref<2000x16xf32, #tpu.memory_space<vmem>>, %arg7: memref<256x256xf32, #tpu.memory_space<vmem>>, %arg8: memref<256x256xf32, #tpu.memory_space<vmem>>, %arg9: memref<1x256xf32, #tpu.memory_space<vmem>>, %arg10: memref<1x256xf32, #tpu.memory_space<vmem>>, %arg11: memref<256x384xf32, #tpu.memory_space<vmem>>, %arg12: memref<128x384xf32, #tpu.memory_space<vmem>>, %arg13: memref<1x384xf32, #tpu.memory_space<vmem>>, %arg14: memref<1x384xf32, #tpu.memory_space<vmem>>, %arg15: memref<128x512xf32, #tpu.memory_space<vmem>>, %arg16: memref<1x128xf32, #tpu.memory_space<vmem>>, %arg17: memref<1x128xf32, #tpu.memory_space<vmem>>, %arg18: memref<1x1xf32, #tpu.memory_space<vmem>>, %arg19: memref<1x1xf32, #tpu.memory_space<vmem>>, %arg20: memref<2000x128xf32, #tpu.memory_space<vmem>>, %arg21: memref<1x128xf32, #tpu.memory_space<vmem>>, %arg22: memref<1x128xf32, #tpu.memory_space<vmem>>) attributes {dimension_semantics = [#tpu.dimension_semantics<arbitrary>], iteration_bounds = array<i64: 5>, scalar_prefetch = 0 : i64, scratch_operands = 0 : i64, tpu.core_type = #tpu.core_type<tc>, window_params = [{transform_indices = @transform_0, window_bounds = array<i64: 2000, 128>}, {transform_indices = @transform_1, window_bounds = array<i64: 2000, 128>}, {transform_indices = @transform_2, window_bounds = array<i64: 2000, 128>}, {transform_indices = @transform_3, window_bounds = array<i64: 2000, 128>}, {transform_indices = @transform_4, window_bounds = array<i64: 2000, 16>}, {transform_indices = @transform_5, window_bounds = array<i64: 2000, 16>}, {pipeline_mode = #tpu.pipeline_mode<synchronous>, transform_indices = @transform_6, window_bounds = array<i64: 256, 256>}, {pipeline_mode = #tpu.pipeline_mode<synchronous>, transform_indices = @transform_7, window_bounds = array<i64: 256, 256>}, {pipeline_mode = #tpu.pipeline_mode<synchronous>, transform_indices = @transform_8, window_bounds = array<i64: 1, 256>}, {pipeline_mode = #tpu.pipeline_mode<synchronous>, transform_indices = @transform_9, window_bounds = array<i64: 1, 256>}, {pipeline_mode = #tpu.pipeline_mode<synchronous>, transform_indices = @transform_10, window_bounds = array<i64: 256, 384>}, {pipeline_mode = #tpu.pipeline_mode<synchronous>, transform_indices = @transform_11, window_bounds = array<i64: 128, 384>}, {pipeline_mode = #tpu.pipeline_mode<synchronous>, transform_indices = @transform_12, window_bounds = array<i64: 1, 384>}, {pipeline_mode = #tpu.pipeline_mode<synchronous>, transform_indices = @transform_13, window_bounds = array<i64: 1, 384>}, {pipeline_mode = #tpu.pipeline_mode<synchronous>, transform_indices = @transform_14, window_bounds = array<i64: 128, 512>}, {pipeline_mode = #tpu.pipeline_mode<synchronous>, transform_indices = @transform_15, window_bounds = array<i64: 1, 128>}, {pipeline_mode = #tpu.pipeline_mode<synchronous>, transform_indices = @transform_16, window_bounds = array<i64: 1, 128>}, {pipeline_mode = #tpu.pipeline_mode<synchronous>, transform_indices = @transform_17, window_bounds = array<i64: 1, 1>}, {pipeline_mode = #tpu.pipeline_mode<synchronous>, transform_indices = @transform_18, window_bounds = array<i64: 1, 1>}, {transform_indices = @transform_19, window_bounds = array<i64: 2000, 128>}, {pipeline_mode = #tpu.pipeline_mode<synchronous>, transform_indices = @transform_20, window_bounds = array<i64: 1, 128>}, {pipeline_mode = #tpu.pipeline_mode<synchronous>, transform_indices = @transform_21, window_bounds = array<i64: 1, 128>}]} {
    %get3A = arith.constant 0 : index
    %get3A_0 = arith.constant 0 : index
    %get3A_1 = vector.load %arg1[%get3A, %get3A_0] : memref<2000x128xf32, #tpu.memory_space<vmem>>, vector<2000x128xf32>
    %get3A_2 = arith.constant 0 : index
    %get3A_3 = arith.constant 0 : index
    %get3A_4 = vector.load %arg2[%get3A_2, %get3A_3] : memref<2000x128xf32, #tpu.memory_space<vmem>>, vector<2000x128xf32>
    %get3A_5 = arith.constant 0 : index
    %get3A_6 = arith.constant 0 : index
    %get3A_7 = vector.load %arg5[%get3A_5, %get3A_6] : memref<2000x16xf32, #tpu.memory_space<vmem>>, vector<2000x16xf32>
    %slice3A = vector.extract_strided_slice %get3A_7 {offsets = [0, 0], sizes = [2000, 1], strides = [1, 1]} : vector<2000x16xf32> to vector<2000x1xf32>
    %get3A_8 = arith.constant 0 : index
    %get3A_9 = arith.constant 0 : index
    %get3A_10 = vector.load %arg6[%get3A_8, %get3A_9] : memref<2000x16xf32, #tpu.memory_space<vmem>>, vector<2000x16xf32>
    %slice3A_11 = vector.extract_strided_slice %get3A_10 {offsets = [0, 0], sizes = [2000, 1], strides = [1, 1]} : vector<2000x16xf32> to vector<2000x1xf32>
    %get3A_12 = arith.constant 0 : index
    %get3A_13 = arith.constant 0 : index
    %get3A_14 = vector.load %arg3[%get3A_12, %get3A_13] : memref<2000x128xf32, #tpu.memory_space<vmem>>, vector<2000x128xf32>
    %mul3A = vector.broadcast %slice3A : vector<2000x1xf32> to vector<2000x128xf32>
    %mul3A_15 = arith.mulf %mul3A, %get3A_4 : vector<2000x128xf32>
    %concatenate3A = tpu.concatenate %get3A_14, %mul3A_15 in 1 : vector<2000x128xf32>, vector<2000x128xf32> -> vector<2000x256xf32>
    %get3A_16 = arith.constant 0 : index
    %get3A_17 = arith.constant 0 : index
    %get3A_18 = vector.load %arg4[%get3A_16, %get3A_17] : memref<2000x128xf32, #tpu.memory_space<vmem>>, vector<2000x128xf32>
    %mul3A_19 = vector.broadcast %slice3A_11 : vector<2000x1xf32> to vector<2000x128xf32>
    %mul3A_20 = arith.mulf %mul3A_19, %get3A_4 : vector<2000x128xf32>
    %concatenate3A_21 = tpu.concatenate %get3A_18, %mul3A_20 in 1 : vector<2000x128xf32>, vector<2000x128xf32> -> vector<2000x256xf32>
    %get3A_22 = arith.constant 0 : index
    %get3A_23 = arith.constant 0 : index
    %get3A_24 = vector.load %arg7[%get3A_22, %get3A_23] : memref<256x256xf32, #tpu.memory_space<vmem>>, vector<256x256xf32>
    %dot_general3A = arith.constant dense<0.000000e+00> : vector<2000x256xf32>
    %dot_general3A_25 = tpu.matmul %concatenate3A, %get3A_24, %dot_general3A {dimension_numbers = #tpu.dot_dimension_numbers<[1], [0], [0], [1], [0, 0, 1, 1], [], []>, precision = #tpu.contract_precision<fp32>, transpose_lhs_hint = false} : vector<2000x256xf32>, vector<256x256xf32>, vector<2000x256xf32> -> vector<2000x256xf32>
    %get3A_26 = arith.constant 0 : index
    %get3A_27 = arith.constant 0 : index
    %get3A_28 = vector.load %arg8[%get3A_26, %get3A_27] : memref<256x256xf32, #tpu.memory_space<vmem>>, vector<256x256xf32>
    %dot_general3A_29 = arith.constant dense<0.000000e+00> : vector<2000x256xf32>
    %dot_general3A_30 = tpu.matmul %concatenate3A_21, %get3A_28, %dot_general3A_29 {dimension_numbers = #tpu.dot_dimension_numbers<[1], [0], [0], [1], [0, 0, 1, 1], [], []>, precision = #tpu.contract_precision<fp32>, transpose_lhs_hint = false} : vector<2000x256xf32>, vector<256x256xf32>, vector<2000x256xf32> -> vector<2000x256xf32>
    %add3A = arith.addf %dot_general3A_25, %dot_general3A_30 : vector<2000x256xf32>
    %get3A_31 = arith.constant 0 : index
    %get3A_32 = arith.constant 0 : index
    %get3A_33 = vector.load %arg9[%get3A_31, %get3A_32] : memref<1x256xf32, #tpu.memory_space<vmem>>, vector<1x256xf32>
    %mul3A_34 = vector.broadcast %slice3A : vector<2000x1xf32> to vector<2000x256xf32>
    %mul3A_35 = vector.broadcast %get3A_33 : vector<1x256xf32> to vector<2000x256xf32>
    %mul3A_36 = arith.mulf %mul3A_34, %mul3A_35 : vector<2000x256xf32>
    %add3A_37 = arith.addf %add3A, %mul3A_36 : vector<2000x256xf32>
    %get3A_38 = arith.constant 0 : index
    %get3A_39 = arith.constant 0 : index
    %get3A_40 = vector.load %arg10[%get3A_38, %get3A_39] : memref<1x256xf32, #tpu.memory_space<vmem>>, vector<1x256xf32>
    %mul3A_41 = vector.broadcast %slice3A_11 : vector<2000x1xf32> to vector<2000x256xf32>
    %mul3A_42 = vector.broadcast %get3A_40 : vector<1x256xf32> to vector<2000x256xf32>
    %mul3A_43 = arith.mulf %mul3A_41, %mul3A_42 : vector<2000x256xf32>
    %add3A_44 = arith.addf %add3A_37, %mul3A_43 : vector<2000x256xf32>
    %get3A_45 = arith.constant 0 : index
    %get3A_46 = arith.constant 0 : index
    %get3A_47 = vector.load %arg11[%get3A_45, %get3A_46] : memref<256x384xf32, #tpu.memory_space<vmem>>, vector<256x384xf32>
    %dot_general3A_48 = arith.constant dense<0.000000e+00> : vector<2000x384xf32>
    %dot_general3A_49 = tpu.matmul %add3A_44, %get3A_47, %dot_general3A_48 {dimension_numbers = #tpu.dot_dimension_numbers<[1], [0], [0], [1], [0, 0, 1, 1], [], []>, transpose_lhs_hint = false} : vector<2000x256xf32>, vector<256x384xf32>, vector<2000x384xf32> -> vector<2000x384xf32>
    %get3A_50 = arith.constant 0 : index
    %get3A_51 = arith.constant 0 : index
    %get3A_52 = vector.load %arg13[%get3A_50, %get3A_51] : memref<1x384xf32, #tpu.memory_space<vmem>>, vector<1x384xf32>
    %add3A_53 = vector.broadcast %get3A_52 : vector<1x384xf32> to vector<2000x384xf32>
    %add3A_54 = arith.addf %dot_general3A_49, %add3A_53 : vector<2000x384xf32>
    %get3A_55 = arith.constant 0 : index
    %get3A_56 = arith.constant 0 : index
    %get3A_57 = vector.load %arg12[%get3A_55, %get3A_56] : memref<128x384xf32, #tpu.memory_space<vmem>>, vector<128x384xf32>
    %dot_general3A_58 = arith.constant dense<0.000000e+00> : vector<2000x384xf32>
    %dot_general3A_59 = tpu.matmul %get3A_1, %get3A_57, %dot_general3A_58 {dimension_numbers = #tpu.dot_dimension_numbers<[1], [0], [0], [1], [0, 0, 1, 1], [], []>, transpose_lhs_hint = false} : vector<2000x128xf32>, vector<128x384xf32>, vector<2000x384xf32> -> vector<2000x384xf32>
    %get3A_60 = arith.constant 0 : index
    %get3A_61 = arith.constant 0 : index
    %get3A_62 = vector.load %arg14[%get3A_60, %get3A_61] : memref<1x384xf32, #tpu.memory_space<vmem>>, vector<1x384xf32>
    %add3A_63 = vector.broadcast %get3A_62 : vector<1x384xf32> to vector<2000x384xf32>
    %add3A_64 = arith.addf %dot_general3A_59, %add3A_63 : vector<2000x384xf32>
    %slice3A_65 = vector.extract_strided_slice %add3A_54 {offsets = [0, 0], sizes = [2000, 128], strides = [1, 1]} : vector<2000x384xf32> to vector<2000x128xf32>
    %slice3A_66 = vector.extract_strided_slice %add3A_64 {offsets = [0, 0], sizes = [2000, 128], strides = [1, 1]} : vector<2000x384xf32> to vector<2000x128xf32>
    %add3A_67 = arith.addf %slice3A_65, %slice3A_66 : vector<2000x128xf32>
    %logistic3A = arith.negf %add3A_67 : vector<2000x128xf32>
    %logistic3A_68 = math.exp %logistic3A : vector<2000x128xf32>
    %logistic3A_69 = arith.constant 1.000000e+00 : f32
    %logistic3A_70 = vector.broadcast %logistic3A_69 : f32 to vector<2000x128xf32>
    %logistic3A_71 = arith.addf %logistic3A_70, %logistic3A_68 : vector<2000x128xf32>
    %logistic3A_72 = arith.divf %logistic3A_70, %logistic3A_71 : vector<2000x128xf32>
    %slice3A_73 = vector.extract_strided_slice %add3A_54 {offsets = [0, 128], sizes = [2000, 128], strides = [1, 1]} : vector<2000x384xf32> to vector<2000x128xf32>
    %slice3A_74 = vector.extract_strided_slice %add3A_64 {offsets = [0, 128], sizes = [2000, 128], strides = [1, 1]} : vector<2000x384xf32> to vector<2000x128xf32>
    %add3A_75 = arith.addf %slice3A_73, %slice3A_74 : vector<2000x128xf32>
    %logistic3A_76 = arith.negf %add3A_75 : vector<2000x128xf32>
    %logistic3A_77 = math.exp %logistic3A_76 : vector<2000x128xf32>
    %logistic3A_78 = arith.constant 1.000000e+00 : f32
    %logistic3A_79 = vector.broadcast %logistic3A_78 : f32 to vector<2000x128xf32>
    %logistic3A_80 = arith.addf %logistic3A_79, %logistic3A_77 : vector<2000x128xf32>
    %logistic3A_81 = arith.divf %logistic3A_79, %logistic3A_80 : vector<2000x128xf32>
    %slice3A_82 = vector.extract_strided_slice %add3A_54 {offsets = [0, 256], sizes = [2000, 128], strides = [1, 1]} : vector<2000x384xf32> to vector<2000x128xf32>
    %slice3A_83 = vector.extract_strided_slice %add3A_64 {offsets = [0, 256], sizes = [2000, 128], strides = [1, 1]} : vector<2000x384xf32> to vector<2000x128xf32>
    %mul3A_84 = arith.mulf %logistic3A_72, %slice3A_83 : vector<2000x128xf32>
    %add3A_85 = arith.addf %slice3A_82, %mul3A_84 : vector<2000x128xf32>
    %tanh3A = math.tanh %add3A_85 : vector<2000x128xf32>
    %sub3A = arith.constant 1.000000e+00 : f32
    %sub3A_86 = vector.broadcast %sub3A : f32 to vector<2000x128xf32>
    %sub3A_87 = arith.subf %sub3A_86, %logistic3A_81 : vector<2000x128xf32>
    %mul3A_88 = arith.mulf %sub3A_87, %tanh3A : vector<2000x128xf32>
    %mul3A_89 = arith.mulf %logistic3A_81, %get3A_1 : vector<2000x128xf32>
    %add3A_90 = arith.addf %mul3A_88, %mul3A_89 : vector<2000x128xf32>
    %swap3A = arith.constant 0 : index
    %swap3A_91 = arith.constant 0 : index
    %swap3A_92 = vector.load %arg20[%swap3A, %swap3A_91] : memref<2000x128xf32, #tpu.memory_space<vmem>>, vector<2000x128xf32>
    tpu.vector_store %arg20[%swap3A, %swap3A_91], %add3A_90 {strides = array<i32>} : memref<2000x128xf32, #tpu.memory_space<vmem>>, vector<2000x128xf32>,
    %get3A_93 = arith.constant 0 : index
    %get3A_94 = arith.constant 0 : index
    %get3A_95 = vector.load %arg15[%get3A_93, %get3A_94] : memref<128x512xf32, #tpu.memory_space<vmem>>, vector<128x512xf32>
    %dot_general3A_96 = arith.constant dense<0.000000e+00> : vector<2000x512xf32>
    %dot_general3A_97 = tpu.matmul %add3A_90, %get3A_95, %dot_general3A_96 {dimension_numbers = #tpu.dot_dimension_numbers<[1], [0], [0], [1], [0, 0, 1, 1], [], []>, transpose_lhs_hint = false} : vector<2000x128xf32>, vector<128x512xf32>, vector<2000x512xf32> -> vector<2000x512xf32>
    %slice3A_98 = vector.extract_strided_slice %dot_general3A_97 {offsets = [0, 0], sizes = [2000, 128], strides = [1, 1]} : vector<2000x512xf32> to vector<2000x128xf32>
    %get3A_99 = arith.constant 0 : index
    %get3A_100 = arith.constant 0 : index
    %get3A_101 = vector.load %arg16[%get3A_99, %get3A_100] : memref<1x128xf32, #tpu.memory_space<vmem>>, vector<1x128xf32>
    %add3A_102 = vector.broadcast %get3A_101 : vector<1x128xf32> to vector<2000x128xf32>
    %add3A_103 = arith.addf %slice3A_98, %add3A_102 : vector<2000x128xf32>
    %slice3A_104 = vector.extract_strided_slice %dot_general3A_97 {offsets = [0, 128], sizes = [2000, 128], strides = [1, 1]} : vector<2000x512xf32> to vector<2000x128xf32>
    %get3A_105 = arith.constant 0 : index
    %get3A_106 = arith.constant 0 : index
    %get3A_107 = vector.load %arg17[%get3A_105, %get3A_106] : memref<1x128xf32, #tpu.memory_space<vmem>>, vector<1x128xf32>
    %add3A_108 = vector.broadcast %get3A_107 : vector<1x128xf32> to vector<2000x128xf32>
    %add3A_109 = arith.addf %slice3A_104, %add3A_108 : vector<2000x128xf32>
    %slice3A_110 = vector.extract_strided_slice %dot_general3A_97 {offsets = [0, 256], sizes = [2000, 1], strides = [1, 1]} : vector<2000x512xf32> to vector<2000x1xf32>
    %get3A_111 = arith.constant 0 : index
    %get3A_112 = arith.constant 0 : index
    %get3A_113 = vector.load %arg18[%get3A_111, %get3A_112] : memref<1x1xf32, #tpu.memory_space<vmem>>, vector<1x1xf32>
    %add3A_114 = vector.broadcast %get3A_113 : vector<1x1xf32> to vector<2000x1xf32>
    %add3A_115 = arith.addf %slice3A_110, %add3A_114 : vector<2000x1xf32>
    %logistic3A_116 = arith.negf %add3A_115 : vector<2000x1xf32>
    %logistic3A_117 = math.exp %logistic3A_116 : vector<2000x1xf32>
    %logistic3A_118 = arith.constant 1.000000e+00 : f32
    %logistic3A_119 = vector.broadcast %logistic3A_118 : f32 to vector<2000x1xf32>
    %logistic3A_120 = arith.addf %logistic3A_119, %logistic3A_117 : vector<2000x1xf32>
    %logistic3A_121 = arith.divf %logistic3A_119, %logistic3A_120 : vector<2000x1xf32>
    %slice3A_122 = vector.extract_strided_slice %dot_general3A_97 {offsets = [0, 384], sizes = [2000, 1], strides = [1, 1]} : vector<2000x512xf32> to vector<2000x1xf32>
    %get3A_123 = arith.constant 0 : index
    %get3A_124 = arith.constant 0 : index
    %get3A_125 = vector.load %arg19[%get3A_123, %get3A_124] : memref<1x1xf32, #tpu.memory_space<vmem>>, vector<1x1xf32>
    %add3A_126 = vector.broadcast %get3A_125 : vector<1x1xf32> to vector<2000x1xf32>
    %add3A_127 = arith.addf %slice3A_122, %add3A_126 : vector<2000x1xf32>
    %logistic3A_128 = arith.negf %add3A_127 : vector<2000x1xf32>
    %logistic3A_129 = math.exp %logistic3A_128 : vector<2000x1xf32>
    %logistic3A_130 = arith.constant 1.000000e+00 : f32
    %logistic3A_131 = vector.broadcast %logistic3A_130 : f32 to vector<2000x1xf32>
    %logistic3A_132 = arith.addf %logistic3A_131, %logistic3A_129 : vector<2000x1xf32>
    %logistic3A_133 = arith.divf %logistic3A_131, %logistic3A_132 : vector<2000x1xf32>
    %eq3A = arith.constant 0 : i32
    %eq3A_134 = arith.cmpi eq, %arg0, %eq3A : i32
    %convert_element_type3A = arith.extui %eq3A_134 : i1 to i32
    %cond3A = arith.constant 0 : i32
    %cond3A_135 = arith.cmpi ne, %convert_element_type3A, %cond3A : i32
    scf.if %cond3A_135 {
      %broadcast_in_dim3A_158 = arith.constant 0.000000e+00 : f32
      %broadcast_in_dim3A_159 = vector.broadcast %broadcast_in_dim3A_158 : f32 to vector<1x128xf32>
      %swap3A_160 = arith.constant 0 : index
      %swap3A_161 = arith.constant 0 : index
      %swap3A_162 = vector.load %arg21[%swap3A_160, %swap3A_161] : memref<1x128xf32, #tpu.memory_space<vmem>>, vector<1x128xf32>
      tpu.vector_store %arg21[%swap3A_160, %swap3A_161], %broadcast_in_dim3A_159 {strides = array<i32>} : memref<1x128xf32, #tpu.memory_space<vmem>>, vector<1x128xf32>,
      %broadcast_in_dim3A_163 = arith.constant 0.000000e+00 : f32
      %broadcast_in_dim3A_164 = vector.broadcast %broadcast_in_dim3A_163 : f32 to vector<1x128xf32>
      %swap3A_165 = arith.constant 0 : index
      %swap3A_166 = arith.constant 0 : index
      %swap3A_167 = vector.load %arg22[%swap3A_165, %swap3A_166] : memref<1x128xf32, #tpu.memory_space<vmem>>, vector<1x128xf32>
      tpu.vector_store %arg22[%swap3A_165, %swap3A_166], %broadcast_in_dim3A_164 {strides = array<i32>} : memref<1x128xf32, #tpu.memory_space<vmem>>, vector<1x128xf32>,
    } else {
    }
    %get3A_136 = arith.constant 0 : index
    %get3A_137 = arith.constant 0 : index
    %get3A_138 = vector.load %arg21[%get3A_136, %get3A_137] : memref<1x128xf32, #tpu.memory_space<vmem>>, vector<1x128xf32>
    %mul3A_139 = vector.broadcast %logistic3A_121 : vector<2000x1xf32> to vector<2000x128xf32>
    %mul3A_140 = arith.mulf %add3A_103, %mul3A_139 : vector<2000x128xf32>
    %reduce_sum3A = arith.constant dense<0.000000e+00> : vector<128xf32>
    %reduce_sum3A_141 = vector.multi_reduction <add>, %mul3A_140, %reduce_sum3A [0] : vector<2000x128xf32> to vector<128xf32>
    %broadcast_in_dim3A = vector.shape_cast %reduce_sum3A_141 : vector<128xf32> to vector<1x128xf32>
    %add3A_142 = arith.addf %get3A_138, %broadcast_in_dim3A : vector<1x128xf32>
    %swap3A_143 = arith.constant 0 : index
    %swap3A_144 = arith.constant 0 : index
    %swap3A_145 = vector.load %arg21[%swap3A_143, %swap3A_144] : memref<1x128xf32, #tpu.memory_space<vmem>>, vector<1x128xf32>
    tpu.vector_store %arg21[%swap3A_143, %swap3A_144], %add3A_142 {strides = array<i32>} : memref<1x128xf32, #tpu.memory_space<vmem>>, vector<1x128xf32>,
    %get3A_146 = arith.constant 0 : index
    %get3A_147 = arith.constant 0 : index
    %get3A_148 = vector.load %arg22[%get3A_146, %get3A_147] : memref<1x128xf32, #tpu.memory_space<vmem>>, vector<1x128xf32>
    %mul3A_149 = vector.broadcast %logistic3A_133 : vector<2000x1xf32> to vector<2000x128xf32>
    %mul3A_150 = arith.mulf %add3A_109, %mul3A_149 : vector<2000x128xf32>
    %reduce_sum3A_151 = arith.constant dense<0.000000e+00> : vector<128xf32>
    %reduce_sum3A_152 = vector.multi_reduction <add>, %mul3A_150, %reduce_sum3A_151 [0] : vector<2000x128xf32> to vector<128xf32>
    %broadcast_in_dim3A_153 = vector.shape_cast %reduce_sum3A_152 : vector<128xf32> to vector<1x128xf32>
    %add3A_154 = arith.addf %get3A_148, %broadcast_in_dim3A_153 : vector<1x128xf32>
    %swap3A_155 = arith.constant 0 : index
    %swap3A_156 = arith.constant 0 : index
    %swap3A_157 = vector.load %arg22[%swap3A_155, %swap3A_156] : memref<1x128xf32, #tpu.memory_space<vmem>>, vector<1x128xf32>
    tpu.vector_store %arg22[%swap3A_155, %swap3A_156], %add3A_154 {strides = array<i32>} : memref<1x128xf32, #tpu.memory_space<vmem>>, vector<1x128xf32>,
    return
  }
  func.func @transform_0(%arg0: i32) -> (i32, i32) {
    %c0_i32 = arith.constant 0 : i32
    %c0_i32_0 = arith.constant 0 : i32
    return %arg0, %c0_i32 : i32, i32
  }
  func.func @transform_1(%arg0: i32) -> (i32, i32) {
    %c0_i32 = arith.constant 0 : i32
    %c0_i32_0 = arith.constant 0 : i32
    return %arg0, %c0_i32 : i32, i32
  }
  func.func @transform_2(%arg0: i32) -> (i32, i32) {
    %c0_i32 = arith.constant 0 : i32
    %c0_i32_0 = arith.constant 0 : i32
    return %arg0, %c0_i32 : i32, i32
  }
  func.func @transform_3(%arg0: i32) -> (i32, i32) {
    %c0_i32 = arith.constant 0 : i32
    %c0_i32_0 = arith.constant 0 : i32
    return %arg0, %c0_i32 : i32, i32
  }
  func.func @transform_4(%arg0: i32) -> (i32, i32) {
    %c0_i32 = arith.constant 0 : i32
    %c0_i32_0 = arith.constant 0 : i32
    return %arg0, %c0_i32 : i32, i32
  }
  func.func @transform_5(%arg0: i32) -> (i32, i32) {
    %c0_i32 = arith.constant 0 : i32
    %c0_i32_0 = arith.constant 0 : i32
    return %arg0, %c0_i32 : i32, i32
  }
  func.func @transform_6(%arg0: i32) -> (i32, i32) {
    %c0_i32 = arith.constant 0 : i32
    %c0_i32_0 = arith.constant 0 : i32
    %c0_i32_1 = arith.constant 0 : i32
    return %c0_i32, %c0_i32_0 : i32, i32
  }
  func.func @transform_7(%arg0: i32) -> (i32, i32) {
    %c0_i32 = arith.constant 0 : i32
    %c0_i32_0 = arith.constant 0 : i32
    %c0_i32_1 = arith.constant 0 : i32
    return %c0_i32, %c0_i32_0 : i32, i32
  }
  func.func @transform_8(%arg0: i32) -> (i32, i32) {
    %c0_i32 = arith.constant 0 : i32
    %c0_i32_0 = arith.constant 0 : i32
    %c0_i32_1 = arith.constant 0 : i32
    return %c0_i32, %c0_i32_0 : i32, i32
  }
  func.func @transform_9(%arg0: i32) -> (i32, i32) {
    %c0_i32 = arith.constant 0 : i32
    %c0_i32_0 = arith.constant 0 : i32
    %c0_i32_1 = arith.constant 0 : i32
    return %c0_i32, %c0_i32_0 : i32, i32
  }
  func.func @transform_10(%arg0: i32) -> (i32, i32) {
    %c0_i32 = arith.constant 0 : i32
    %c0_i32_0 = arith.constant 0 : i32
    %c0_i32_1 = arith.constant 0 : i32
    return %c0_i32, %c0_i32_0 : i32, i32
  }
  func.func @transform_11(%arg0: i32) -> (i32, i32) {
    %c0_i32 = arith.constant 0 : i32
    %c0_i32_0 = arith.constant 0 : i32
    %c0_i32_1 = arith.constant 0 : i32
    return %c0_i32, %c0_i32_0 : i32, i32
  }
  func.func @transform_12(%arg0: i32) -> (i32, i32) {
    %c0_i32 = arith.constant 0 : i32
    %c0_i32_0 = arith.constant 0 : i32
    %c0_i32_1 = arith.constant 0 : i32
    return %c0_i32, %c0_i32_0 : i32, i32
  }
  func.func @transform_13(%arg0: i32) -> (i32, i32) {
    %c0_i32 = arith.constant 0 : i32
    %c0_i32_0 = arith.constant 0 : i32
    %c0_i32_1 = arith.constant 0 : i32
    return %c0_i32, %c0_i32_0 : i32, i32
  }
  func.func @transform_14(%arg0: i32) -> (i32, i32) {
    %c0_i32 = arith.constant 0 : i32
    %c0_i32_0 = arith.constant 0 : i32
    %c0_i32_1 = arith.constant 0 : i32
    return %c0_i32, %c0_i32_0 : i32, i32
  }
  func.func @transform_15(%arg0: i32) -> (i32, i32) {
    %c0_i32 = arith.constant 0 : i32
    %c0_i32_0 = arith.constant 0 : i32
    %c0_i32_1 = arith.constant 0 : i32
    return %c0_i32, %c0_i32_0 : i32, i32
  }
  func.func @transform_16(%arg0: i32) -> (i32, i32) {
    %c0_i32 = arith.constant 0 : i32
    %c0_i32_0 = arith.constant 0 : i32
    %c0_i32_1 = arith.constant 0 : i32
    return %c0_i32, %c0_i32_0 : i32, i32
  }
  func.func @transform_17(%arg0: i32) -> (i32, i32) {
    %c0_i32 = arith.constant 0 : i32
    %c0_i32_0 = arith.constant 0 : i32
    %c0_i32_1 = arith.constant 0 : i32
    return %c0_i32, %c0_i32_0 : i32, i32
  }
  func.func @transform_18(%arg0: i32) -> (i32, i32) {
    %c0_i32 = arith.constant 0 : i32
    %c0_i32_0 = arith.constant 0 : i32
    %c0_i32_1 = arith.constant 0 : i32
    return %c0_i32, %c0_i32_0 : i32, i32
  }
  func.func @transform_19(%arg0: i32) -> (i32, i32) {
    %c0_i32 = arith.constant 0 : i32
    %c0_i32_0 = arith.constant 0 : i32
    return %arg0, %c0_i32 : i32, i32
  }
  func.func @transform_20(%arg0: i32) -> (i32, i32) {
    %c0_i32 = arith.constant 0 : i32
    %c0_i32_0 = arith.constant 0 : i32
    %c0_i32_1 = arith.constant 0 : i32
    return %c0_i32, %c0_i32_0 : i32, i32
  }
  func.func @transform_21(%arg0: i32) -> (i32, i32) {
    %c0_i32 = arith.constant 0 : i32
    %c0_i32_0 = arith.constant 0 : i32
    %c0_i32_1 = arith.constant 0 : i32
    return %c0_i32, %c0_i32_0 : i32, i32
  }
}

</mosaic_0001>

<sc_bundles>
// kernel: kernel.12.cloned.1.call-start
scs
__scs_entry_jumppad:
0x0: {  	(pc) =	sbr.rel $0x88, $3  }
0x1: {  	(tag) =	ssettag $0x0;
	lr =	simm.s32 $0x1  }
0x2: {  	[smem:$0x3F87] =	sst lr;
	_ =	strace $0xD0000000  }
0x3: {  	_ = 	snop  }
0x4: {  	_ = 	snop  }
0x5: {  	_ = 	snop  }
0x6: {  	_ = 	snop  }
0x7: {  	_ = 	snop  }
__scs_overlays_trampoline_lowered:
0x8: {  	[smem:$0x3F96] =	sst s0  }
0x9: {  	[smem:$0x3F97] =	sst s1  }
0xa: {  	[smem:$0x3F98] =	sst s2  }
0xb: {  	[smem:$0x3F99] =	sst s3  }
0xc: {  	[smem:$0x3F9A] =	sst s4  }
0xd: {  	[smem:$0x3F9B] =	sst s5  }
0xe: {  	[smem:$0x3F9C] =	sst s6  }
0xf: {  	[smem:$0x3F9D] =	sst s7  }
0x10: {  	[smem:$0x3F9E] =	sst s8  }
0x11: {  	[smem:$0x3F9F] =	sst s9;
	s0 =	simm.s32 @!p0 $0x0  }
0x12: {  	s1 =	sld [smem:$0x3F85];
	s0 =	simm.s32 @p0 $0x1  }
0x13: {  	[smem:$0x3FA0] =	sst s0;
	s0 =	simm.s32 @!p1 $0x0  }
0x14: {  	s2 =	sld [smem:$0x3F84];
	s0 =	simm.s32 @p1 $0x1  }
0x15: {  	[smem:$0x3FA1] =	sst s0;
	s0 =	simm.s32 @!p2 $0x0  }
0x16: {  	s3 =	sld [smem:$0x3FDB];
	s0 =	simm.s32 @p2 $0x1  }
0x17: {  	s4 =	simm.s32 $0x1BF5;
	[smem:$0x3FA3] =	sst s0  }
0x18: {  	s0 =	sld [smem:$0x3F86];
	_ =	swait.ge [sflag:s4], $0x0  }
0x19: {  	s7 =	sld [smem:$0x3F87]  }
0x1a: {  	s8 =	sadd.s32 $0xFFFFE003, lr  }
0x1b: {  	s9 =	sadd.s32 $0xFFFFFEF7, lr;
	s5 =	simm.s32 $0xFFFFFFFF;
	p2 =	slt.u32 s8, $0xFFFFF086  }
0x1c: {  	p1 =	slt.u32 s9, $0xF7A;
	s5 =	simm.s32 @!p2 $0x0  }
0x1d: {  	s5 =	simm.s32 @p1 $0x1;
	p0 =	seq.s32 s7, s2  }
0x1e: {  	s7 =	smul.u32 @!p0 $0xF7A, s2;
	p2 =	seq.s32 @!p0 s5, $0x0  }
0x1f: {  	s9 =	smul.u32 $0xF7A, s1;
	s8 =	simm.s32 @!p0 $0x1BF5;
	p2 =	por !p2, p0  }
0x20: {  	[sflag:s8] =	ssyncset.s32 @!p0 $0xFFFFF086;
	s6 =	sadd.s32 @!p0 s3, s7;
	s7 =	simm.s32 @!p0 $0x108  }
0x21: {  	s3 =	sadd.s32 s3, s9;
	s6 =	sadd.s32 @!p0 $0x88, s6;
	s7 =	simm.s32 @p2 $0x1082  }
0x22: {  	[simem:s7], [sflag:s8] =	dma.local @!p0 [hbm:s6], $0xF7A  }
0x23: {  	s9 =	sor.u32 $0xD0000000, s2;
	s6 =	simm.s32 $0x108;
	_ =	swait.ge @!p0 [sflag:s8], $0x0  }
0x24: {  	s3 =	sadd.s32 $0x88, s3;
	s6 =	simm.s32 @!p1 $0x1082;
	[sflag:s4] =	ssyncset.s32 $0xFFFFF086  }
0x25: {  	[simem:s6], [sflag:s4] =	dma.local [hbm:s3], $0xF7A  }
0x26: {  	[smem:$0x3F87] =	sst s1;
	(tag) =	ssettag s2;
	_ =	strace s9  }
0x27: {  	s1 =	sld [smem:$0x3F97]  }
0x28: {  	s2 =	sld [smem:$0x3F98]  }
0x29: {  	s4 =	sld [smem:$0x3F9A]  }
0x2a: {  	p0 =	seq.s32 s5, $0x0;
	s5 =	sld [smem:$0x3F9B]  }
0x2b: {  	s6 =	sld [smem:$0x3F9C]  }
0x2c: {  	s7 =	sld [smem:$0x3F9D]  }
0x2d: {  	s3 =	simm.s32 $0x108;
	s8 =	sld [smem:$0x3F9E]  }
0x2e: {  	s3 =	simm.s32 @!p0 $0x1082;
	s9 =	sld [smem:$0x3F9F]  }
0x2f: {  	lr =	sadd.s32 s0, s3;
	s0 =	sld [smem:$0x3F96]  }
0x30: {  	s3 =	sld [smem:$0x3F99]  }
0x31: {  	[smem:$0x3FA2] =	sst s10  }
0x32: {  	s10 =	sld [smem:$0x3FA0];
	_ =	sdelay $0x3  }
0x33: {  	p0 =	seq.s32 s10, $0x1;
	s10 =	sld [smem:$0x3FA2];
	_ =	sdelay $0x3  }
0x34: {  	[smem:$0x3FA2] =	sst s10  }
0x35: {  	s10 =	sld [smem:$0x3FA1];
	_ =	sdelay $0x3  }
0x36: {  	p1 =	seq.s32 s10, $0x1;
	s10 =	sld [smem:$0x3FA2];
	_ =	sdelay $0x3  }
0x37: {  	[smem:$0x3FA2] =	sst s10  }
0x38: {  	s10 =	sld [smem:$0x3FA3]  }
0x39: {  	_ = 	snop;
	(pc) =	sbr.ind lr, $3  }
0x3a: {  	_ = 	snop  }
0x3b: {  	_ = 	snop  }
0x3c: {  	p2 =	seq.s32 s10, $0x1;
	s10 =	sld [smem:$0x3FA2]  }
0x3d: {  	_ =	shalt  }
0x3e: {  	_ =	shalt  }
0x3f: {  	_ =	shalt  }
0x40: {  	_ =	shalt  }
0x41: {  	_ =	shalt  }
0x42: {  	_ =	shalt  }
0x43: {  	_ =	shalt  }
0x44: {  	_ =	shalt  }
0x45: {  	_ =	shalt  }
0x46: {  	_ =	shalt  }
0x47: {  	_ =	shalt  }
0x48: {  	_ =	shalt  }
0x49: {  	_ =	shalt  }
0x4a: {  	_ =	shalt  }
0x4b: {  	_ =	shalt  }
0x4c: {  	_ =	shalt  }
0x4d: {  	_ =	shalt  }
0x4e: {  	_ =	shalt  }
0x4f: {  	_ =	shalt  }
0x50: {  	_ =	shalt  }
0x51: {  	_ =	shalt  }
0x52: {  	_ =	shalt  }
0x53: {  	_ =	shalt  }
0x54: {  	_ =	shalt  }
0x55: {  	_ =	shalt  }
0x56: {  	_ =	shalt  }
0x57: {  	_ =	shalt  }
0x58: {  	_ =	shalt  }
0x59: {  	_ =	shalt  }
0x5a: {  	_ =	shalt  }
0x5b: {  	_ =	shalt  }
0x5c: {  	_ =	shalt  }
0x5d: {  	_ =	shalt  }
0x5e: {  	_ =	shalt  }
0x5f: {  	_ =	shalt  }
0x60: {  	_ =	shalt  }
0x61: {  	_ =	shalt  }
0x62: {  	_ =	shalt  }
0x63: {  	_ =	shalt  }
0x64: {  	_ =	shalt  }
0x65: {  	_ =	shalt  }
0x66: {  	_ =	shalt  }
0x67: {  	_ =	shalt  }
0x68: {  	_ =	shalt  }
0x69: {  	_ =	shalt  }
0x6a: {  	_ =	shalt  }
0x6b: {  	_ =	shalt  }
0x6c: {  	_ =	shalt  }
0x6d: {  	_ =	shalt  }
0x6e: {  	_ =	shalt  }
0x6f: {  	_ =	shalt  }
0x70: {  	_ =	shalt  }
0x71: {  	_ =	shalt  }
0x72: {  	_ =	shalt  }
0x73: {  	_ =	shalt  }
0x74: {  	_ =	shalt  }
0x75: {  	_ =	shalt  }
0x76: {  	_ =	shalt  }
0x77: {  	_ =	shalt  }
0x78: {  	_ =	shalt  }
0x79: {  	_ =	shalt  }
0x7a: {  	_ =	shalt  }
0x7b: {  	_ =	shalt  }
0x7c: {  	_ =	shalt  }
0x7d: {  	_ =	shalt  }
0x7e: {  	_ =	shalt  }
0x7f: {  	_ =	shalt  }
0x80: {  	_ =	shalt  }
0x81: {  	_ =	shalt  }
0x82: {  	_ =	shalt  }
0x83: {  	_ =	shalt  }
0x84: {  	_ =	shalt  }
0x85: {  	_ =	shalt  }
0x86: {  	_ =	shalt  }
0x87: {  	_ =	shalt  }
.Lfunc_end0:
.L_simem_size_0:
called_computation_lowered:
.L_overlay_start_0:
0x88: {  	s2 =	sld [smem:$0x3FD9]  }
0x89: {  	s3 =	sld [smem:$0x3FFE];
	_ =	sdelay $0x1  }
0x8a: {  	s1 =	srdreg.scid  }
0x8b: {  	s0 =	sand.u32 $0x1, s1  }
0x8c: {  	s14 =	sshll.u32 s0, $0xA;
	s2 =	sadd.s32 s3, s2  }
0x8d: {  	s2 =	sadd.s32 s2, s14  }
0x8e: {  	[smem:$0x3FAE] =	sst s2  }
0x8f: {  	_ = 	snop  }
0x90: {  	s2 =	sld [smem:$0x3FD0];
	_ =	sdelay $0x2  }
0x91: {  	s15 =	simm.s32 $0xA;
	s4 =	simm.s32 $0x10  }
0x92: {  	[smem:s4], [sflag:s15] =	dma.local [hbm:s2], $0x1  }
0x93: {  	_ =	swait.eq [sflag:s15], $0x1  }
0x94: {  	[sflag:s15] =	ssyncset.done $0x0  }
0x95: {  	[sflag:s15] =	ssyncadd.s32 $0xFFFFFFFF  }
0x96: {  	s16 =	sld [smem:$0x10];
	(tm) =	ssettm $0x1  }
0x97: {  	s17 =	sld [smem:$0x3FFB];
	_ =	sdelay $0x3  }
0x98: {  	_ =	strace s17  }
0x99: {  	s3 =	sld [smem:$0x3FFC];
	_ =	sdelay $0x3  }
0x9a: {  	_ =	strace s3  }
0x9b: {  	s3 =	sld [smem:$0x3FFD];
	_ =	sdelay $0x3  }
0x9c: {  	_ =	strace s3  }
0x9d: {  	_ =	strace $0x8FFFFFFF  }
0x9e: {  	s18 =	sld [smem:$0x3FDB];
	_ =	sdelay $0x1  }
0x9f: {  	s19 =	simm.s32 $_scs_section_size  }
0xa0: {  	s5 =	simm.s32 $_size__tile_overlayer_lowered;
	s6 =	simm.s32 $_tile_overlayer_lowered  }
0xa1: {  	s22 =	simm.s32 $0x1BFF;
	s21 =	sshll.u32 s6, $0x1;
	s3 =	sadd.s32 s19, s18  }
0xa2: {  	s7 =	simm.s32 $0x0;
	s20 =	sshll.u32 s5, $0x1;
	s5 =	sadd.s32 s21, s3  }
0xa3: {  	[timem:s7], [sflag:s22] =	dma.local [hbm:s5], s20  }
0xa4: {  	_ =	swait.ge [sflag:s22], s20  }
0xa5: {  	s4 =	ssub.s32 $0x0, s20;
	[sflag:s22] =	ssyncset.done $0x0  }
0xa6: {  	[sflag:s22] =	ssyncadd.s32 s4;
	_ =	sdelay $0x1  }
0xa7: {  	s23 =	simm.s32 $0x1B8B  }
0xa8: {  	_ =	swait.ge [sflag:s23], $0x1  }
0xa9: {  	[sflag:s23] =	ssyncset.done $0x0  }
0xaa: {  	s25 =	simm.s32 $0x1B8E;
	s24 =	sld [smem:$0x3FFE];
	[sflag:s23] =	ssyncadd.s32 $0xFFFFFFFF  }
0xab: {  	s26 =	simm.s32 $execute0_lowered;
	[smem:$0x3FD2] =	sst s25  }
0xac: {  	s5 =	sshll.u32 s26, $0x1;
	_ =	strace $0x80000046;
	[dreg:$0x1] =	wrdreg $0xFFFFFFFF  }
0xad: {  	s28 =	simm.s32 $_size_execute0_lowered;
	s3 =	sadd.s32 s3, s5;
	[dreg:$0x0] =	wrdreg $0x0  }
0xae: {  	s5 =	sshll.u32 s28, $0x1;
	[dreg:$0x2] =	wrdreg s3  }
0xaf: {  	[dreg:$0x3] =	wrdreg s5  }
0xb0: {  	[dreg:$0x4] =	wrdreg $0xC0  }
0xb1: {  	_ =	task [dreg:s7], $0x5FFFF  }
0xb2: {  	[dreg:$0x1] =	wrdreg $0xFFFFFFFF  }
0xb3: {  	[dreg:$0x0] =	wrdreg $0x60  }
0xb4: {  	[dreg:$0x2] =	wrdreg s16  }
0xb5: {  	[dreg:$0x3] =	wrdreg s24  }
0xb6: {  	[dreg:$0x4] =	wrdreg $0xC6000  }
0xb7: {  	[dreg:$0x5] =	wrdreg $0x164000  }
0xb8: {  	[dreg:$0x6] =	wrdreg $0x9  }
0xb9: {  	_ =	task.clear_ibuf [dreg:s7], $0x7FFFF;
	_ =	strace $0x90000046  }
0xba: {  	s29 =	simm.s32 $0x9;
	_ =	strace $0x80000048  }
0xbb: {  	_ =	swait.ge [sflag:s29], $0x1  }
0xbc: {  	[sflag:s29] =	ssyncadd.s32 $0xFFFFFFFF  }
0xbd: {  	_ =	strace $0x90000048  }
0xbe: {  	_ =	sfence  }
0xbf: {  	s30 =	sld [smem:$0x0];
	_ =	sdelay $0x2  }
0xc0: {  	s31 =	sshll.u32 s1, $0xD;
	s1 =	sshrl.u32 s1, $0x2  }
0xc1: {  	s3 =	sand.u32 $0x4000, s31;
	s1 =	sadd.s32 s1, s30  }
0xc2: {  	s0 =	sor.u32 s3, s0;
	s1 =	sshll.u32 s1, $0x11  }
0xc3: {  	s0 =	sor.u32 s1, s0  }
0xc4: {  	s0 =	sadd.s32 $0x8F2B, s0  }
0xc5: {  	[sflag:s0] =	ssyncadd.remote.s32 $0x1  }
0xc6: {  	_ =	sfence.sel $0xFFFF  }
0xc7: {  	[dreg:$0x0] =	wrdreg $0xFFFFFFFF;
	(pc) =	sbr.abs _section_cstart, $3  }
0xc8: {  	[dreg:$0x1] =	wrdreg $0xFFFFFFFF  }
0xc9: {  	_ =	task.clear_ibuf [dreg:s7], $0x2FFFF;
	_ =	strace $0x9FFFFFFF  }
0xca: {  	(tm) =	ssettm $0x7FFFFFFF  }
0xcb: {  	_ =	shalt  }
tec
execute0_lowered:
.L_overlay_start_1:
0x0: {  	(tag) =	ssettag $0x1  }
0x1: {  	s0 =	rddreg [dreg:$0x0]  }
0x2: {  	s8 =	rddreg [dreg:$0x1]  }
0x3: {  	s1 =	srdreg.scid;
	s3 =	rddreg [dreg:$0x2]  }
0x4: {  	s4 =	rddreg [dreg:$0x3];
	s9 =	sand.u32 $0x1, s1  }
0x5: {  	s1 =	stileid.u32;
	s6 =	smul.u32 $0x4F000, s9  }
0x6: {  	s2 =	rddreg [dreg:$0x4];
	s5 =	simm.s32 $0x0;
	s7 =	smul.u32 $0x4F00, s1  }
0x7: {  	s22 =	simm.s32 $0x80;
	s23 =	simm.s32 $0x9E00;
	s10 =	smul.u32 $0x9E00, s1  }
0x8: {  	s24 =	simm.s32 $0x1;
	[smem:$0x7FF] =	sst s5;
	s11 =	smul.u32 $0x2780, s1  }
0x9: {  	s25 =	simm.s32 $0x0;
	_ =	strace $0x80000047;
	s13 =	smul.u32 $0x13C000, s9  }
0xa: {  	s15 =	smul.u32 $0x27800, s9;
	s9 =	ssub.s32 $0x2, s9;
	s19 =	sshll.u32 s1, $0x6  }
0xb: {  	s17 =	sshrl.u32 s9, $0x1;
	s19 =	sor.u32 $0x1C02, s19;
	s6 =	sadd.s32 s7, s6  }
0xc: {  	s29 =	sshrl.u32 s10, $0x3;
	s14 =	sshrl.u32 s11, $0x3;
	s13 =	sadd.s32 s10, s13  }
0xd: {  	s15 =	sadd.s32 s11, s15;
	s31 =	ssub.s32 s9, s17;
	s20 =	sadd.s32 s10, s3  }
0xe: {  	s21 =	sadd.s32 s11, s4;
	s17 =	simm.s32 $0x4F00;
	s7 =	sshrl.u32 s6, $0x3  }
0xf: {  	s6 =	sadd.s32 $0x2C400, s8;
	s16 =	sadd.s32 s29, s8;
	s14 =	sadd.s32 s14, s8  }
0x10: {  	s13 =	sshrl.u32 s13, $0x3;
	s15 =	sshrl.u32 s15, $0x3;
	s20 =	sshrl.u32 s20, $0x3  }
0x11: {  	s21 =	sshrl.u32 s21, $0x3;
	s12 =	sadd.s32 s7, s8;
	s7 =	sadd.s32 $0x58A00, s8  }
0x12: {  	s18 =	sadd.s32 s13, s8;
	s30 =	sadd.s32 s15, s8;
	s10 =	sadd.s32 $0x3FE00, s16  }
0x13: {  	s11 =	sadd.s32 $0x53A00, s14;
	s15 =	smax.u32 s31, $0x1;
	s16 =	simm.s32 $0x2  }
0x14: {  	s8 =	sadd.s32 $0x18800, s12;
	s9 =	sadd.s32 $0x4C00, s12;
	s12 =	sadd.s32 $0x58C00, s18  }
0x15: {  	s13 =	sadd.s32 $0xA7C00, s30;
	s14 =	sadd.s32 $0x6C800, s18;
	s18 =	simm.s32 $0xBE00  }
.LBB2_1:
0x16: {  	[tilespmem:s5], [sflag:$0x2] =	stream.linear.gather [hbm4b:s8+s5], $0x4F00, $0x38;
	[tilespmem:$0x18B80] =	vst v63  }
0x17: {  	_ =	swait.ge [sflag:s16], $0x4F00  }
0x18: {  	[sflag:s16] =	ssyncset.done $0x0  }
0x19: {  	[sflag:s16] =	ssyncadd.s32 $0xFFFFB100  }
0x1a: {  	[tilespmem:s17], [sflag:$0x2] =	stream.linear.gather [hbm4b:s9+s5], $0x4F00, $0x38;
	[tilespmem:$0x18B80] =	vst v63  }
0x1b: {  	_ =	swait.ge [sflag:s16], $0x4F00  }
0x1c: {  	[sflag:s16] =	ssyncset.done $0x0  }
0x1d: {  	[sflag:s16] =	ssyncadd.s32 $0xFFFFB100  }
0x1e: {  	[tilespmem:s18], [sflag:$0x2] =	stream.linear.gather [hbm4b:s7+s5], $0x800, $0x38;
	[tilespmem:$0x18B80] =	vst v63  }
0x1f: {  	_ =	swait.ge [sflag:s16], $0x800  }
0x20: {  	[sflag:s16] =	ssyncset.done $0x0  }
0x21: {  	[sflag:s16] =	ssyncadd.s32 $0xFFFFF800  }
0x22: {  	[spmem:s20], [sflag:s19] =	dma.local [hbm:s10], $0x13C0  }
0x23: {  	_ =	swait.ge [sflag:s16], $0x13C0  }
0x24: {  	[sflag:s16] =	ssyncset.done $0x0  }
0x25: {  	[sflag:s16] =	ssyncadd.s32 $0xFFFFEC40  }
0x26: {  	[spmem:s21], [sflag:s19] =	dma.local [hbm:s11], $0x4F0  }
0x27: {  	_ =	swait.ge [sflag:s16], $0x4F0  }
0x28: {  	[sflag:s16] =	ssyncset.done $0x0  }
0x29: {  	[sflag:s16] =	ssyncadd.s32 $0xFFFFFB10  }
0x2a: {  	s26 =	simm.s32 $0x0;
	[bflag:$0x0] =	sbarrier.arrive $0xFFFF  }
0x2b: {  	[tilespmem:s23], [sflag:$0x1] =	stream.indirect.gather [hbm4b:s0+s22], $0x40, s26, s22, $0xb8;
	[tilespmem:$0x18B80] =	vst v63  }
0x2c: {  	_ =	swait.ge [sflag:s24], $0x2000  }
0x2d: {  	[sflag:s24] =	ssyncset.done $0x0  }
0x2e: {  	s31 =	simm.s32 $0x4F00;
	[sflag:s24] =	ssyncadd.s32 $0xFFFFE000  }
0x2f: {  	[spmem:s3] =	stream.indirect.scatter.add.f32 [tilespmem:s23], [sflag:$0x2], $0x40, s31, s22, $0xb8;
	[tilespmem:$0x18B80] =	vst v63  }
0x30: {  	_ =	swait.ge [sflag:s16], $0x2000  }
0x31: {  	[sflag:s16] =	ssyncset.done $0x0  }
0x32: {  	[sflag:s16] =	ssyncadd.s32 $0xFFFFE000  }
0x33: {  	[spmem:s4] =	stream.indirect.scatter.add.f32 [tilespmem:s18], [sflag:$0x2], $0x10, s31, s22, $0xb8;
	[tilespmem:$0x18B80] =	vst v63  }
0x34: {  	_ =	swait.ge [sflag:s16], $0x800  }
0x35: {  	s28 =	simm.s32 $0x400;
	s26 =	simm.s32 $0x200;
	[sflag:s16] =	ssyncset.done $0x0  }
.LBB2_2:
0x36: {  	s29 =	sshra.s32 s26, $0x2  }
0x37: {  	[sflag:s16] =	ssyncadd.s32 $0xFFFFF800;
	s26 =	smov.u32 s28;
	s30 =	sadd.s32 $0x200, s28  }
0x38: {  	[tilespmem:s23], [sflag:$0x1] =	stream.indirect.gather [hbm4b:s0+s22], $0x40, s29, s22, $0xb8;
	[tilespmem:$0x18B80] =	vst v63  }
0x39: {  	p0 =	sne.s32 s28, $0x13A00;
	_ =	swait.ge [sflag:s24], $0x2000  }
0x3a: {  	[sflag:s24] =	ssyncset.done $0x0  }
0x3b: {  	s28 =	sadd.s32 $0x4F00, s29;
	[sflag:s24] =	ssyncadd.s32 $0xFFFFE000  }
0x3c: {  	[spmem:s3] =	stream.indirect.scatter.add.f32 [tilespmem:s23], [sflag:$0x2], $0x40, s28, s22, $0xb8;
	[tilespmem:$0x18B80] =	vst v63  }
0x3d: {  	_ =	swait.ge [sflag:s16], $0x2000  }
.Ltmp0:
0x3e: {  	[sflag:s16] =	ssyncset.done $0x0;
	(pc) =	sbr.rel @p0 .LBB2_2-.Ltmp0, $4  }
0x3f: {  	[sflag:s16] =	ssyncadd.s32 $0xFFFFE000  }
0x40: {  	[spmem:s4] =	stream.indirect.scatter.add.f32 [tilespmem:s18], [sflag:$0x2], $0x10, s28, s22, $0xb8;
	[tilespmem:$0x18B80] =	vst v63  }
0x41: {  	_ =	swait.ge [sflag:s16], $0x800  }
0x42: {  	s28 =	smov.u32 s30;
	[sflag:s16] =	ssyncset.done $0x0  }
0x43: {  	s26 =	sshra.s32 s26, $0x2;
	[sflag:s16] =	ssyncadd.s32 $0xFFFFF800  }
0x44: {  	[tilespmem:s23], [sflag:$0x1] =	stream.indirect.gather [hbm4b:s0+s22], $0x40, s26, s22, $0xb8;
	[tilespmem:$0x18B80] =	vst v63  }
0x45: {  	_ =	swait.ge [sflag:s24], $0x2000  }
0x46: {  	[sflag:s24] =	ssyncset.done $0x0  }
0x47: {  	s26 =	sadd.s32 $0x4F00, s26;
	[sflag:s24] =	ssyncadd.s32 $0xFFFFE000  }
0x48: {  	[spmem:s3] =	stream.indirect.scatter.add.f32 [tilespmem:s23], [sflag:$0x2], $0x40, s26, s22, $0xb8;
	[tilespmem:$0x18B80] =	vst v63  }
0x49: {  	_ =	swait.ge [sflag:s16], $0x2000  }
0x4a: {  	[sflag:s16] =	ssyncset.done $0x0  }
0x4b: {  	[sflag:s16] =	ssyncadd.s32 $0xFFFFE000  }
0x4c: {  	[spmem:s4] =	stream.indirect.scatter.add.f32 [tilespmem:s18], [sflag:$0x2], $0x10, s26, s22, $0xb8;
	[tilespmem:$0x18B80] =	vst v63  }
0x4d: {  	_ =	swait.ge [sflag:s16], $0x800  }
0x4e: {  	[sflag:s16] =	ssyncset.done $0x0  }
0x4f: {  	[sflag:s16] =	ssyncadd.s32 $0xFFFFF800  }
0x50: {  	[bflag:$0x0] =	sbarrier.arrive $0xFFFF  }
0x51: {  	[hbm:s12], [sflag:s19] =	dma.local [spmem:s20], $0x13C0  }
0x52: {  	_ =	swait.ge [sflag:s16], $0x13C0  }
0x53: {  	[sflag:s16] =	ssyncset.done $0x0  }
0x54: {  	[sflag:s16] =	ssyncadd.s32 $0xFFFFEC40  }
0x55: {  	[hbm:s13], [sflag:s19] =	dma.local [spmem:s21], $0x4F0  }
0x56: {  	_ =	swait.ge [sflag:s16], $0x4F0  }
0x57: {  	[sflag:s16] =	ssyncset.done $0x0  }
0x58: {  	[sflag:s16] =	ssyncadd.s32 $0xFFFFFB10  }
0x59: {  	[spmem:s20], [sflag:s19] =	dma.local [hbm:s10], $0x13C0  }
0x5a: {  	_ =	swait.ge [sflag:s16], $0x13C0  }
0x5b: {  	[sflag:s16] =	ssyncset.done $0x0  }
0x5c: {  	[sflag:s16] =	ssyncadd.s32 $0xFFFFEC40  }
0x5d: {  	s30 =	simm.s32 $0x0;
	[bflag:$0x0] =	sbarrier.arrive $0xFFFF  }
0x5e: {  	[tilespmem:s23], [sflag:$0x1] =	stream.indirect.gather [hbm4b:s6+s22], $0x40, s30, s22, $0xb8;
	[tilespmem:$0x18B80] =	vst v63  }
0x5f: {  	_ =	swait.ge [sflag:s24], $0x2000  }
0x60: {  	[sflag:s24] =	ssyncset.done $0x0  }
0x61: {  	s31 =	simm.s32 $0x4F00;
	[sflag:s24] =	ssyncadd.s32 $0xFFFFE000  }
0x62: {  	[spmem:s3] =	stream.indirect.scatter.add.f32 [tilespmem:s23], [sflag:$0x2], $0x40, s31, s22, $0xb8;
	[tilespmem:$0x18B80] =	vst v63  }
0x63: {  	_ =	swait.ge [sflag:s16], $0x2000  }
0x64: {  	s28 =	simm.s32 $0x400;
	s26 =	simm.s32 $0x200;
	[sflag:s16] =	ssyncset.done $0x0  }
.LBB2_4:
0x65: {  	s29 =	sshra.s32 s26, $0x2  }
0x66: {  	[sflag:s16] =	ssyncadd.s32 $0xFFFFE000;
	s26 =	smov.u32 s28;
	s30 =	sadd.s32 $0x200, s28  }
0x67: {  	[tilespmem:s23], [sflag:$0x1] =	stream.indirect.gather [hbm4b:s6+s22], $0x40, s29, s22, $0xb8;
	[tilespmem:$0x18B80] =	vst v63  }
0x68: {  	p0 =	sne.s32 s28, $0x13A00;
	_ =	swait.ge [sflag:s24], $0x2000  }
.Ltmp1:
0x69: {  	[sflag:s24] =	ssyncset.done $0x0;
	(pc) =	sbr.rel @p0 .LBB2_4-.Ltmp1, $4  }
0x6a: {  	s28 =	sadd.s32 $0x4F00, s29;
	[sflag:s24] =	ssyncadd.s32 $0xFFFFE000  }
0x6b: {  	[spmem:s3] =	stream.indirect.scatter.add.f32 [tilespmem:s23], [sflag:$0x2], $0x40, s28, s22, $0xb8;
	[tilespmem:$0x18B80] =	vst v63  }
0x6c: {  	_ =	swait.ge [sflag:s16], $0x2000  }
0x6d: {  	s28 =	smov.u32 s30;
	[sflag:s16] =	ssyncset.done $0x0  }
0x6e: {  	s26 =	sshra.s32 s26, $0x2;
	[sflag:s16] =	ssyncadd.s32 $0xFFFFE000  }
0x6f: {  	[tilespmem:s23], [sflag:$0x1] =	stream.indirect.gather [hbm4b:s6+s22], $0x40, s26, s22, $0xb8;
	[tilespmem:$0x18B80] =	vst v63  }
0x70: {  	_ =	swait.ge [sflag:s24], $0x2000  }
0x71: {  	[sflag:s24] =	ssyncset.done $0x0  }
0x72: {  	s26 =	sadd.s32 $0x4F00, s26;
	[sflag:s24] =	ssyncadd.s32 $0xFFFFE000  }
0x73: {  	[spmem:s3] =	stream.indirect.scatter.add.f32 [tilespmem:s23], [sflag:$0x2], $0x40, s26, s22, $0xb8;
	[tilespmem:$0x18B80] =	vst v63  }
0x74: {  	_ =	swait.ge [sflag:s16], $0x2000  }
0x75: {  	s25 =	sadd.s32 $0x1, s25;
	[sflag:s16] =	ssyncset.done $0x0  }
0x76: {  	p0 =	sne.s32 s25, s15;
	[sflag:s16] =	ssyncadd.s32 $0xFFFFE000  }
.Ltmp2:
0x77: {  	[bflag:$0x0] =	sbarrier.arrive $0xFFFF;
	(pc) =	sbr.rel @p0 .LBB2_1-.Ltmp2, $4  }
0x78: {  	[hbm:s14], [sflag:s19] =	dma.local [spmem:s20], $0x13C0  }
0x79: {  	_ =	swait.ge [sflag:s16], $0x13C0  }
0x7a: {  	[sflag:s16] =	ssyncset.done $0x0  }
0x7b: {  	[sflag:s16] =	ssyncadd.s32 $0xFFFFEC40  }
0x7c: {  	_ =	sfence.sel $0x180000  }
0x7d: {  	[bflag:$0x0] =	sbarrier.arrive $0xFFFF  }
0x7e: {  	p0 =	sne.s32 s1, $0x0;
	_ =	strace $0x90000047  }
0x7f: {  	s0 =	sadd.s32 @!p0 $0x100000, s2;
	[bflag:$0x2] =	sbarrier.arrive $0xFFFF  }
0x80: {  	[sflag:s0] =	ssyncadd.tile.s32 @!p0 $0x1;
	_ =	shalt  }
.Lfunc_end2:
_tile_overlayer_lowered:
.L_overlay_start_2:
0x81: {  	(tag) =	ssettag $0x2  }
0x82: {  	s0 =	rddreg [dreg:$0x0];
	s2 =	stileid.u32  }
0x83: {  	s1 =	rddreg [dreg:$0x1];
	p0 =	sne.s32 s2, $0x0  }
0x84: {  	s3 =	rddreg [dreg:$0x2];
	[bflag:$0x3] =	sbarrier.arrive $0xFFFF;
	s2 =	simm.s32 @!p0 $0x1C02  }
0x85: {  	[timem:s3], [sflag:s2] =	dma.local @!p0 [hbm:s0], s1  }
0x86: {  	s0 =	simm.s32 @!p0 $0x2  }
0x87: {  	_ =	swait.ge @!p0 [sflag:s0], s1  }
0x88: {  	s1 =	ssub.s32 @!p0 $0x0, s1;
	[sflag:s0] =	ssyncset.done @!p0 $0x0  }
0x89: {  	[sflag:s0] =	ssyncadd.s32 @!p0 s1  }
0x8a: {  	[bflag:$0x3] =	sbarrier.arrive $0xFFFF  }
0x8b: {  	_ =	shalt  }

// kernel: kernel.15.cloned.1.call-start
scs
__scs_entry_jumppad:
0x0: {  	(pc) =	sbr.rel $0x88, $3  }
0x1: {  	(tag) =	ssettag $0x0;
	lr =	simm.s32 $0x1  }
0x2: {  	[smem:$0x3F87] =	sst lr;
	_ =	strace $0xD0000000  }
0x3: {  	_ = 	snop  }
0x4: {  	_ = 	snop  }
0x5: {  	_ = 	snop  }
0x6: {  	_ = 	snop  }
0x7: {  	_ = 	snop  }
__scs_overlays_trampoline_lowered:
0x8: {  	[smem:$0x3F96] =	sst s0  }
0x9: {  	[smem:$0x3F97] =	sst s1  }
0xa: {  	[smem:$0x3F98] =	sst s2  }
0xb: {  	[smem:$0x3F99] =	sst s3  }
0xc: {  	[smem:$0x3F9A] =	sst s4  }
0xd: {  	[smem:$0x3F9B] =	sst s5  }
0xe: {  	[smem:$0x3F9C] =	sst s6  }
0xf: {  	[smem:$0x3F9D] =	sst s7  }
0x10: {  	[smem:$0x3F9E] =	sst s8  }
0x11: {  	[smem:$0x3F9F] =	sst s9;
	s0 =	simm.s32 @!p0 $0x0  }
0x12: {  	s1 =	sld [smem:$0x3F85];
	s0 =	simm.s32 @p0 $0x1  }
0x13: {  	[smem:$0x3FA0] =	sst s0;
	s0 =	simm.s32 @!p1 $0x0  }
0x14: {  	s2 =	sld [smem:$0x3F84];
	s0 =	simm.s32 @p1 $0x1  }
0x15: {  	[smem:$0x3FA1] =	sst s0;
	s0 =	simm.s32 @!p2 $0x0  }
0x16: {  	s3 =	sld [smem:$0x3FDB];
	s0 =	simm.s32 @p2 $0x1  }
0x17: {  	s4 =	simm.s32 $0x1BF5;
	[smem:$0x3FA3] =	sst s0  }
0x18: {  	s0 =	sld [smem:$0x3F86];
	_ =	swait.ge [sflag:s4], $0x0  }
0x19: {  	s7 =	sld [smem:$0x3F87]  }
0x1a: {  	s8 =	sadd.s32 $0xFFFFE003, lr  }
0x1b: {  	s9 =	sadd.s32 $0xFFFFFEF7, lr;
	s5 =	simm.s32 $0xFFFFFFFF;
	p2 =	slt.u32 s8, $0xFFFFF086  }
0x1c: {  	p1 =	slt.u32 s9, $0xF7A;
	s5 =	simm.s32 @!p2 $0x0  }
0x1d: {  	s5 =	simm.s32 @p1 $0x1;
	p0 =	seq.s32 s7, s2  }
0x1e: {  	s7 =	smul.u32 @!p0 $0xF7A, s2;
	p2 =	seq.s32 @!p0 s5, $0x0  }
0x1f: {  	s9 =	smul.u32 $0xF7A, s1;
	s8 =	simm.s32 @!p0 $0x1BF5;
	p2 =	por !p2, p0  }
0x20: {  	[sflag:s8] =	ssyncset.s32 @!p0 $0xFFFFF086;
	s6 =	sadd.s32 @!p0 s3, s7;
	s7 =	simm.s32 @!p0 $0x108  }
0x21: {  	s3 =	sadd.s32 s3, s9;
	s6 =	sadd.s32 @!p0 $0x88, s6;
	s7 =	simm.s32 @p2 $0x1082  }
0x22: {  	[simem:s7], [sflag:s8] =	dma.local @!p0 [hbm:s6], $0xF7A  }
0x23: {  	s9 =	sor.u32 $0xD0000000, s2;
	s6 =	simm.s32 $0x108;
	_ =	swait.ge @!p0 [sflag:s8], $0x0  }
0x24: {  	s3 =	sadd.s32 $0x88, s3;
	s6 =	simm.s32 @!p1 $0x1082;
	[sflag:s4] =	ssyncset.s32 $0xFFFFF086  }
0x25: {  	[simem:s6], [sflag:s4] =	dma.local [hbm:s3], $0xF7A  }
0x26: {  	[smem:$0x3F87] =	sst s1;
	(tag) =	ssettag s2;
	_ =	strace s9  }
0x27: {  	s1 =	sld [smem:$0x3F97]  }
0x28: {  	s2 =	sld [smem:$0x3F98]  }
0x29: {  	s4 =	sld [smem:$0x3F9A]  }
0x2a: {  	p0 =	seq.s32 s5, $0x0;
	s5 =	sld [smem:$0x3F9B]  }
0x2b: {  	s6 =	sld [smem:$0x3F9C]  }
0x2c: {  	s7 =	sld [smem:$0x3F9D]  }
0x2d: {  	s3 =	simm.s32 $0x108;
	s8 =	sld [smem:$0x3F9E]  }
0x2e: {  	s3 =	simm.s32 @!p0 $0x1082;
	s9 =	sld [smem:$0x3F9F]  }
0x2f: {  	lr =	sadd.s32 s0, s3;
	s0 =	sld [smem:$0x3F96]  }
0x30: {  	s3 =	sld [smem:$0x3F99]  }
0x31: {  	[smem:$0x3FA2] =	sst s10  }
0x32: {  	s10 =	sld [smem:$0x3FA0];
	_ =	sdelay $0x3  }
0x33: {  	p0 =	seq.s32 s10, $0x1;
	s10 =	sld [smem:$0x3FA2];
	_ =	sdelay $0x3  }
0x34: {  	[smem:$0x3FA2] =	sst s10  }
0x35: {  	s10 =	sld [smem:$0x3FA1];
	_ =	sdelay $0x3  }
0x36: {  	p1 =	seq.s32 s10, $0x1;
	s10 =	sld [smem:$0x3FA2];
	_ =	sdelay $0x3  }
0x37: {  	[smem:$0x3FA2] =	sst s10  }
0x38: {  	s10 =	sld [smem:$0x3FA3]  }
0x39: {  	_ = 	snop;
	(pc) =	sbr.ind lr, $3  }
0x3a: {  	_ = 	snop  }
0x3b: {  	_ = 	snop  }
0x3c: {  	p2 =	seq.s32 s10, $0x1;
	s10 =	sld [smem:$0x3FA2]  }
0x3d: {  	_ =	shalt  }
0x3e: {  	_ =	shalt  }
0x3f: {  	_ =	shalt  }
0x40: {  	_ =	shalt  }
0x41: {  	_ =	shalt  }
0x42: {  	_ =	shalt  }
0x43: {  	_ =	shalt  }
0x44: {  	_ =	shalt  }
0x45: {  	_ =	shalt  }
0x46: {  	_ =	shalt  }
0x47: {  	_ =	shalt  }
0x48: {  	_ =	shalt  }
0x49: {  	_ =	shalt  }
0x4a: {  	_ =	shalt  }
0x4b: {  	_ =	shalt  }
0x4c: {  	_ =	shalt  }
0x4d: {  	_ =	shalt  }
0x4e: {  	_ =	shalt  }
0x4f: {  	_ =	shalt  }
0x50: {  	_ =	shalt  }
0x51: {  	_ =	shalt  }
0x52: {  	_ =	shalt  }
0x53: {  	_ =	shalt  }
0x54: {  	_ =	shalt  }
0x55: {  	_ =	shalt  }
0x56: {  	_ =	shalt  }
0x57: {  	_ =	shalt  }
0x58: {  	_ =	shalt  }
0x59: {  	_ =	shalt  }
0x5a: {  	_ =	shalt  }
0x5b: {  	_ =	shalt  }
0x5c: {  	_ =	shalt  }
0x5d: {  	_ =	shalt  }
0x5e: {  	_ =	shalt  }
0x5f: {  	_ =	shalt  }
0x60: {  	_ =	shalt  }
0x61: {  	_ =	shalt  }
0x62: {  	_ =	shalt  }
0x63: {  	_ =	shalt  }
0x64: {  	_ =	shalt  }
0x65: {  	_ =	shalt  }
0x66: {  	_ =	shalt  }
0x67: {  	_ =	shalt  }
0x68: {  	_ =	shalt  }
0x69: {  	_ =	shalt  }
0x6a: {  	_ =	shalt  }
0x6b: {  	_ =	shalt  }
0x6c: {  	_ =	shalt  }
0x6d: {  	_ =	shalt  }
0x6e: {  	_ =	shalt  }
0x6f: {  	_ =	shalt  }
0x70: {  	_ =	shalt  }
0x71: {  	_ =	shalt  }
0x72: {  	_ =	shalt  }
0x73: {  	_ =	shalt  }
0x74: {  	_ =	shalt  }
0x75: {  	_ =	shalt  }
0x76: {  	_ =	shalt  }
0x77: {  	_ =	shalt  }
0x78: {  	_ =	shalt  }
0x79: {  	_ =	shalt  }
0x7a: {  	_ =	shalt  }
0x7b: {  	_ =	shalt  }
0x7c: {  	_ =	shalt  }
0x7d: {  	_ =	shalt  }
0x7e: {  	_ =	shalt  }
0x7f: {  	_ =	shalt  }
0x80: {  	_ =	shalt  }
0x81: {  	_ =	shalt  }
0x82: {  	_ =	shalt  }
0x83: {  	_ =	shalt  }
0x84: {  	_ =	shalt  }
0x85: {  	_ =	shalt  }
0x86: {  	_ =	shalt  }
0x87: {  	_ =	shalt  }
.Lfunc_end0:
.L_simem_size_0:
called_computation.1_lowered:
.L_overlay_start_0:
0x88: {  	s2 =	sld [smem:$0x3FD9]  }
0x89: {  	s3 =	sld [smem:$0x3FFE];
	_ =	sdelay $0x1  }
0x8a: {  	s1 =	srdreg.scid  }
0x8b: {  	s0 =	sand.u32 $0x1, s1  }
0x8c: {  	s14 =	sshll.u32 s0, $0xA;
	s2 =	sadd.s32 s3, s2  }
0x8d: {  	s2 =	sadd.s32 s2, s14  }
0x8e: {  	[smem:$0x3FAE] =	sst s2  }
0x8f: {  	_ = 	snop  }
0x90: {  	s2 =	sld [smem:$0x3FD0];
	_ =	sdelay $0x2  }
0x91: {  	s15 =	simm.s32 $0xA;
	s4 =	simm.s32 $0x10  }
0x92: {  	[smem:s4], [sflag:s15] =	dma.local [hbm:s2], $0x1  }
0x93: {  	_ =	swait.eq [sflag:s15], $0x1  }
0x94: {  	[sflag:s15] =	ssyncset.done $0x0  }
0x95: {  	[sflag:s15] =	ssyncadd.s32 $0xFFFFFFFF  }
0x96: {  	s16 =	sld [smem:$0x10];
	(tm) =	ssettm $0x1  }
0x97: {  	s17 =	sld [smem:$0x3FFB];
	_ =	sdelay $0x3  }
0x98: {  	_ =	strace s17  }
0x99: {  	s3 =	sld [smem:$0x3FFC];
	_ =	sdelay $0x3  }
0x9a: {  	_ =	strace s3  }
0x9b: {  	s3 =	sld [smem:$0x3FFD];
	_ =	sdelay $0x3  }
0x9c: {  	_ =	strace s3  }
0x9d: {  	_ =	strace $0x8FFFFFFF  }
0x9e: {  	s18 =	sld [smem:$0x3FDB];
	_ =	sdelay $0x1  }
0x9f: {  	s19 =	simm.s32 $_scs_section_size  }
0xa0: {  	s5 =	simm.s32 $_size__tile_overlayer_lowered;
	s6 =	simm.s32 $_tile_overlayer_lowered  }
0xa1: {  	s22 =	simm.s32 $0x1BFF;
	s21 =	sshll.u32 s6, $0x1;
	s3 =	sadd.s32 s19, s18  }
0xa2: {  	s7 =	simm.s32 $0x0;
	s20 =	sshll.u32 s5, $0x1;
	s5 =	sadd.s32 s21, s3  }
0xa3: {  	[timem:s7], [sflag:s22] =	dma.local [hbm:s5], s20  }
0xa4: {  	_ =	swait.ge [sflag:s22], s20  }
0xa5: {  	s4 =	ssub.s32 $0x0, s20;
	[sflag:s22] =	ssyncset.done $0x0  }
0xa6: {  	[sflag:s22] =	ssyncadd.s32 s4;
	_ =	sdelay $0x1  }
0xa7: {  	s23 =	simm.s32 $0x1B8B  }
0xa8: {  	_ =	swait.ge [sflag:s23], $0x1  }
0xa9: {  	[sflag:s23] =	ssyncset.done $0x0  }
0xaa: {  	s25 =	simm.s32 $0x1B8E;
	s24 =	sld [smem:$0x3FFE];
	[sflag:s23] =	ssyncadd.s32 $0xFFFFFFFF  }
0xab: {  	s26 =	simm.s32 $execute0_lowered;
	[smem:$0x3FD2] =	sst s25  }
0xac: {  	s5 =	sshll.u32 s26, $0x1;
	_ =	strace $0x80000049;
	[dreg:$0x1] =	wrdreg $0xFFFFFFFF  }
0xad: {  	s28 =	simm.s32 $_size_execute0_lowered;
	s3 =	sadd.s32 s3, s5;
	[dreg:$0x0] =	wrdreg $0x0  }
0xae: {  	s5 =	sshll.u32 s28, $0x1;
	[dreg:$0x2] =	wrdreg s3  }
0xaf: {  	[dreg:$0x3] =	wrdreg s5  }
0xb0: {  	[dreg:$0x4] =	wrdreg $0xC0  }
0xb1: {  	_ =	task [dreg:s7], $0x5FFFF  }
0xb2: {  	[dreg:$0x1] =	wrdreg $0xFFFFFFFF  }
0xb3: {  	[dreg:$0x0] =	wrdreg $0x60  }
0xb4: {  	[dreg:$0x2] =	wrdreg s16  }
0xb5: {  	[dreg:$0x3] =	wrdreg s24  }
0xb6: {  	[dreg:$0x4] =	wrdreg $0xBE000  }
0xb7: {  	[dreg:$0x5] =	wrdreg $0x9  }
0xb8: {  	_ =	task.clear_ibuf [dreg:s7], $0x6FFFF;
	_ =	strace $0x90000049  }
0xb9: {  	s29 =	simm.s32 $0x9;
	_ =	strace $0x8000004B  }
0xba: {  	_ =	swait.ge [sflag:s29], $0x1  }
0xbb: {  	[sflag:s29] =	ssyncadd.s32 $0xFFFFFFFF  }
0xbc: {  	_ =	strace $0x9000004B  }
0xbd: {  	_ =	sfence  }
0xbe: {  	s30 =	sld [smem:$0x0];
	_ =	sdelay $0x2  }
0xbf: {  	s31 =	sshll.u32 s1, $0xD;
	s1 =	sshrl.u32 s1, $0x2  }
0xc0: {  	s3 =	sand.u32 $0x4000, s31;
	s1 =	sadd.s32 s1, s30  }
0xc1: {  	s0 =	sor.u32 s3, s0;
	s1 =	sshll.u32 s1, $0x11  }
0xc2: {  	s0 =	sor.u32 s1, s0  }
0xc3: {  	s0 =	sadd.s32 $0x8F2B, s0  }
0xc4: {  	[sflag:s0] =	ssyncadd.remote.s32 $0x1  }
0xc5: {  	_ =	sfence.sel $0xFFFF  }
0xc6: {  	[dreg:$0x0] =	wrdreg $0xFFFFFFFF;
	(pc) =	sbr.abs _section_cstart, $3  }
0xc7: {  	[dreg:$0x1] =	wrdreg $0xFFFFFFFF  }
0xc8: {  	_ =	task.clear_ibuf [dreg:s7], $0x2FFFF;
	_ =	strace $0x9FFFFFFF  }
0xc9: {  	(tm) =	ssettm $0x7FFFFFFF  }
tec
execute0_lowered:
.L_overlay_start_1:
0x0: {  	(tag) =	ssettag $0x1  }
0x1: {  	s1 =	rddreg [dreg:$0x0]  }
0x2: {  	s6 =	rddreg [dreg:$0x1]  }
0x3: {  	s0 =	srdreg.scid;
	s3 =	rddreg [dreg:$0x2]  }
0x4: {  	s2 =	rddreg [dreg:$0x3];
	s7 =	sand.u32 $0x1, s0  }
0x5: {  	s4 =	simm.s32 $0x0;
	s0 =	stileid.u32;
	s5 =	smul.u32 $0x4F000, s7  }
0x6: {  	s13 =	simm.s32 $0x4F00;
	s16 =	simm.s32 $0x80;
	s8 =	smul.u32 $0x4F00, s0  }
0x7: {  	s17 =	simm.s32 $0x9E00;
	s18 =	simm.s32 $0x1;
	s31 =	smul.u32 $0x9E00, s0  }
0x8: {  	s19 =	simm.s32 $0x0;
	[smem:$0x7FF] =	sst s4;
	s10 =	smul.u32 $0x13C000, s7  }
0x9: {  	_ =	strace $0x8000004A;
	s7 =	ssub.s32 $0x2, s7;
	s14 =	sshll.u32 s0, $0x6  }
0xa: {  	s12 =	sshrl.u32 s7, $0x1;
	s14 =	sor.u32 $0x1C02, s14;
	s5 =	sadd.s32 s8, s5  }
0xb: {  	s11 =	sshrl.u32 s31, $0x3;
	s10 =	sadd.s32 s31, s10;
	s12 =	ssub.s32 s7, s12  }
0xc: {  	s15 =	sadd.s32 s31, s3;
	s9 =	sshrl.u32 s5, $0x3;
	s5 =	sadd.s32 $0x2C400, s6  }
0xd: {  	s11 =	sadd.s32 s11, s6;
	s10 =	sshrl.u32 s10, $0x3;
	s15 =	sshrl.u32 s15, $0x3  }
0xe: {  	s9 =	sadd.s32 s9, s6;
	s10 =	sadd.s32 s10, s6;
	s8 =	sadd.s32 $0x3FE00, s11  }
0xf: {  	s11 =	smax.u32 s12, $0x1;
	s12 =	simm.s32 $0x2;
	s6 =	sadd.s32 $0x18800, s9  }
0x10: {  	s7 =	sadd.s32 $0x4C00, s9;
	s9 =	sadd.s32 $0xC9000, s10;
	s10 =	sadd.s32 $0xDCC00, s10  }
.LBB2_1:
0x11: {  	[tilespmem:s4], [sflag:$0x2] =	stream.linear.gather [hbm4b:s6+s4], $0x4F00, $0x38;
	[tilespmem:$0x15C00] =	vst v63  }
0x12: {  	_ =	swait.ge [sflag:s12], $0x4F00  }
0x13: {  	[sflag:s12] =	ssyncset.done $0x0  }
0x14: {  	[sflag:s12] =	ssyncadd.s32 $0xFFFFB100  }
0x15: {  	[tilespmem:s13], [sflag:$0x2] =	stream.linear.gather [hbm4b:s7+s4], $0x4F00, $0x38;
	[tilespmem:$0x15C00] =	vst v63  }
0x16: {  	_ =	swait.ge [sflag:s12], $0x4F00  }
0x17: {  	[sflag:s12] =	ssyncset.done $0x0  }
0x18: {  	[sflag:s12] =	ssyncadd.s32 $0xFFFFB100  }
0x19: {  	[spmem:s15], [sflag:s14] =	dma.local [hbm:s8], $0x13C0  }
0x1a: {  	_ =	swait.ge [sflag:s12], $0x13C0  }
0x1b: {  	[sflag:s12] =	ssyncset.done $0x0  }
0x1c: {  	[sflag:s12] =	ssyncadd.s32 $0xFFFFEC40  }
0x1d: {  	s20 =	simm.s32 $0x0;
	[bflag:$0x0] =	sbarrier.arrive $0xFFFF  }
0x1e: {  	[tilespmem:s17], [sflag:$0x1] =	stream.indirect.gather [hbm4b:s1+s16], $0x40, s20, s16, $0xb8;
	[tilespmem:$0x15C00] =	vst v63  }
0x1f: {  	_ =	swait.ge [sflag:s18], $0x2000  }
0x20: {  	[sflag:s18] =	ssyncset.done $0x0  }
0x21: {  	s31 =	simm.s32 $0x4F00;
	[sflag:s18] =	ssyncadd.s32 $0xFFFFE000  }
0x22: {  	[spmem:s3] =	stream.indirect.scatter.add.f32 [tilespmem:s17], [sflag:$0x2], $0x40, s31, s16, $0xb8;
	[tilespmem:$0x15C00] =	vst v63  }
0x23: {  	_ =	swait.ge [sflag:s12], $0x2000  }
0x24: {  	s21 =	simm.s32 $0x400;
	s20 =	simm.s32 $0x200;
	[sflag:s12] =	ssyncset.done $0x0  }
.LBB2_2:
0x25: {  	s22 =	sshra.s32 s20, $0x2  }
0x26: {  	[sflag:s12] =	ssyncadd.s32 $0xFFFFE000;
	s20 =	smov.u32 s21;
	s23 =	sadd.s32 $0x200, s21  }
0x27: {  	[tilespmem:s17], [sflag:$0x1] =	stream.indirect.gather [hbm4b:s1+s16], $0x40, s22, s16, $0xb8;
	[tilespmem:$0x15C00] =	vst v63  }
0x28: {  	p0 =	sne.s32 s21, $0x13A00;
	_ =	swait.ge [sflag:s18], $0x2000  }
.Ltmp0:
0x29: {  	[sflag:s18] =	ssyncset.done $0x0;
	(pc) =	sbr.rel @p0 .LBB2_2-.Ltmp0, $4  }
0x2a: {  	s21 =	sadd.s32 $0x4F00, s22;
	[sflag:s18] =	ssyncadd.s32 $0xFFFFE000  }
0x2b: {  	[spmem:s3] =	stream.indirect.scatter.add.f32 [tilespmem:s17], [sflag:$0x2], $0x40, s21, s16, $0xb8;
	[tilespmem:$0x15C00] =	vst v63  }
0x2c: {  	_ =	swait.ge [sflag:s12], $0x2000  }
0x2d: {  	s21 =	smov.u32 s23;
	[sflag:s12] =	ssyncset.done $0x0  }
0x2e: {  	s20 =	sshra.s32 s20, $0x2;
	[sflag:s12] =	ssyncadd.s32 $0xFFFFE000  }
0x2f: {  	[tilespmem:s17], [sflag:$0x1] =	stream.indirect.gather [hbm4b:s1+s16], $0x40, s20, s16, $0xb8;
	[tilespmem:$0x15C00] =	vst v63  }
0x30: {  	_ =	swait.ge [sflag:s18], $0x2000  }
0x31: {  	[sflag:s18] =	ssyncset.done $0x0  }
0x32: {  	s20 =	sadd.s32 $0x4F00, s20;
	[sflag:s18] =	ssyncadd.s32 $0xFFFFE000  }
0x33: {  	[spmem:s3] =	stream.indirect.scatter.add.f32 [tilespmem:s17], [sflag:$0x2], $0x40, s20, s16, $0xb8;
	[tilespmem:$0x15C00] =	vst v63  }
0x34: {  	_ =	swait.ge [sflag:s12], $0x2000  }
0x35: {  	[sflag:s12] =	ssyncset.done $0x0  }
0x36: {  	[sflag:s12] =	ssyncadd.s32 $0xFFFFE000  }
0x37: {  	[bflag:$0x0] =	sbarrier.arrive $0xFFFF  }
0x38: {  	[hbm:s9], [sflag:s14] =	dma.local [spmem:s15], $0x13C0  }
0x39: {  	_ =	swait.ge [sflag:s12], $0x13C0  }
0x3a: {  	[sflag:s12] =	ssyncset.done $0x0  }
0x3b: {  	[sflag:s12] =	ssyncadd.s32 $0xFFFFEC40  }
0x3c: {  	[spmem:s15], [sflag:s14] =	dma.local [hbm:s8], $0x13C0  }
0x3d: {  	_ =	swait.ge [sflag:s12], $0x13C0  }
0x3e: {  	[sflag:s12] =	ssyncset.done $0x0  }
0x3f: {  	[sflag:s12] =	ssyncadd.s32 $0xFFFFEC40  }
0x40: {  	s30 =	simm.s32 $0x0;
	[bflag:$0x0] =	sbarrier.arrive $0xFFFF  }
0x41: {  	[tilespmem:s17], [sflag:$0x1] =	stream.indirect.gather [hbm4b:s5+s16], $0x40, s30, s16, $0xb8;
	[tilespmem:$0x15C00] =	vst v63  }
0x42: {  	_ =	swait.ge [sflag:s18], $0x2000  }
0x43: {  	[sflag:s18] =	ssyncset.done $0x0  }
0x44: {  	s31 =	simm.s32 $0x4F00;
	[sflag:s18] =	ssyncadd.s32 $0xFFFFE000  }
0x45: {  	[spmem:s3] =	stream.indirect.scatter.add.f32 [tilespmem:s17], [sflag:$0x2], $0x40, s31, s16, $0xb8;
	[tilespmem:$0x15C00] =	vst v63  }
0x46: {  	_ =	swait.ge [sflag:s12], $0x2000  }
0x47: {  	s21 =	simm.s32 $0x400;
	s20 =	simm.s32 $0x200;
	[sflag:s12] =	ssyncset.done $0x0  }
.LBB2_4:
0x48: {  	s22 =	sshra.s32 s20, $0x2  }
0x49: {  	[sflag:s12] =	ssyncadd.s32 $0xFFFFE000;
	s20 =	smov.u32 s21;
	s23 =	sadd.s32 $0x200, s21  }
0x4a: {  	[tilespmem:s17], [sflag:$0x1] =	stream.indirect.gather [hbm4b:s5+s16], $0x40, s22, s16, $0xb8;
	[tilespmem:$0x15C00] =	vst v63  }
0x4b: {  	p0 =	sne.s32 s21, $0x13A00;
	_ =	swait.ge [sflag:s18], $0x2000  }
.Ltmp1:
0x4c: {  	[sflag:s18] =	ssyncset.done $0x0;
	(pc) =	sbr.rel @p0 .LBB2_4-.Ltmp1, $4  }
0x4d: {  	s21 =	sadd.s32 $0x4F00, s22;
	[sflag:s18] =	ssyncadd.s32 $0xFFFFE000  }
0x4e: {  	[spmem:s3] =	stream.indirect.scatter.add.f32 [tilespmem:s17], [sflag:$0x2], $0x40, s21, s16, $0xb8;
	[tilespmem:$0x15C00] =	vst v63  }
0x4f: {  	_ =	swait.ge [sflag:s12], $0x2000  }
0x50: {  	s21 =	smov.u32 s23;
	[sflag:s12] =	ssyncset.done $0x0  }
0x51: {  	s20 =	sshra.s32 s20, $0x2;
	[sflag:s12] =	ssyncadd.s32 $0xFFFFE000  }
0x52: {  	[tilespmem:s17], [sflag:$0x1] =	stream.indirect.gather [hbm4b:s5+s16], $0x40, s20, s16, $0xb8;
	[tilespmem:$0x15C00] =	vst v63  }
0x53: {  	_ =	swait.ge [sflag:s18], $0x2000  }
0x54: {  	[sflag:s18] =	ssyncset.done $0x0  }
0x55: {  	s20 =	sadd.s32 $0x4F00, s20;
	[sflag:s18] =	ssyncadd.s32 $0xFFFFE000  }
0x56: {  	[spmem:s3] =	stream.indirect.scatter.add.f32 [tilespmem:s17], [sflag:$0x2], $0x40, s20, s16, $0xb8;
	[tilespmem:$0x15C00] =	vst v63  }
0x57: {  	_ =	swait.ge [sflag:s12], $0x2000  }
0x58: {  	s19 =	sadd.s32 $0x1, s19;
	[sflag:s12] =	ssyncset.done $0x0  }
0x59: {  	p0 =	sne.s32 s19, s11;
	[sflag:s12] =	ssyncadd.s32 $0xFFFFE000  }
.Ltmp2:
0x5a: {  	[bflag:$0x0] =	sbarrier.arrive $0xFFFF;
	(pc) =	sbr.rel @p0 .LBB2_1-.Ltmp2, $4  }
0x5b: {  	[hbm:s10], [sflag:s14] =	dma.local [spmem:s15], $0x13C0  }
0x5c: {  	_ =	swait.ge [sflag:s12], $0x13C0  }
0x5d: {  	[sflag:s12] =	ssyncset.done $0x0  }
0x5e: {  	[sflag:s12] =	ssyncadd.s32 $0xFFFFEC40  }
0x5f: {  	_ =	sfence.sel $0x180000  }
0x60: {  	[bflag:$0x0] =	sbarrier.arrive $0xFFFF  }
0x61: {  	p0 =	sne.s32 s0, $0x0;
	_ =	strace $0x9000004A  }
0x62: {  	s0 =	sadd.s32 @!p0 $0x100000, s2;
	[bflag:$0x2] =	sbarrier.arrive $0xFFFF  }
0x63: {  	[sflag:s0] =	ssyncadd.tile.s32 @!p0 $0x1;
	_ =	shalt  }
.Lfunc_end2:
_tile_overlayer_lowered:
.L_overlay_start_2:
0x64: {  	(tag) =	ssettag $0x2  }
0x65: {  	s0 =	rddreg [dreg:$0x0];
	s2 =	stileid.u32  }
0x66: {  	s1 =	rddreg [dreg:$0x1];
	p0 =	sne.s32 s2, $0x0  }
0x67: {  	s3 =	rddreg [dreg:$0x2];
	[bflag:$0x3] =	sbarrier.arrive $0xFFFF;
	s2 =	simm.s32 @!p0 $0x1C02  }
0x68: {  	[timem:s3], [sflag:s2] =	dma.local @!p0 [hbm:s0], s1  }
0x69: {  	s0 =	simm.s32 @!p0 $0x2  }
0x6a: {  	_ =	swait.ge @!p0 [sflag:s0], s1  }
0x6b: {  	s1 =	ssub.s32 @!p0 $0x0, s1;
	[sflag:s0] =	ssyncset.done @!p0 $0x0  }
0x6c: {  	[sflag:s0] =	ssyncadd.s32 @!p0 s1  }
0x6d: {  	[bflag:$0x3] =	sbarrier.arrive $0xFFFF  }
0x6e: {  	_ =	shalt  }

</sc_bundles>
